<compile_context>
chip_gen: v7x
topology: tpu7x:2x2x1
jax: 0.10.2.dev20260603
libtpu: 0.0.44.dev20260713+nightly
codegen_flags: <defaults>
</compile_context>

<pallas_src>
import functools

import jax
import jax.numpy as jnp
from jax import lax
from jax.experimental import pallas as pl
from jax.experimental.pallas import tpu as pltpu
from jax.experimental.pallas import tpu_sc as plsc

PATCH = 16
L = 16
NC, NS = 2, 16
NW = NC * NS
CH = 3072
GS = 256
NSTR = CH // GS


@functools.lru_cache(maxsize=None)
def _build(B, C, H, W):
    nh = W // PATCH
    nv = H // PATCH
    P = nv * nh
    R = B * C * H * nh
    rbc = H * nh
    rows_per_tile = R // NW
    assert rows_per_tile % CH == 0 and rbc % CH == 0
    nchunk = rows_per_tile // CH

    mesh = plsc.VectorSubcoreMesh(core_axis_name="c", subcore_axis_name="s")

    @functools.partial(
        pl.kernel,
        mesh=mesh,
        compiler_params=pltpu.CompilerParams(
            needs_layout_passes=False, use_tc_tiling_on_sc=False),
        out_type=jax.ShapeDtypeStruct((R, L), jnp.float32),
        scratch_types=[
            pltpu.VMEM((B * P,), jnp.int32),
            pltpu.VMEM((rbc,), jnp.int32),
            pltpu.VMEM((CH, L), jnp.float32),
            pltpu.VMEM((CH, L), jnp.float32),
            pltpu.SemaphoreType.DMA,
            pltpu.SemaphoreType.DMA,
            pltpu.SemaphoreType.DMA,
        ],
    )
    def shuffle(img_hbm, perms_hbm, out_hbm, perms_v, rel_v,
                rows0, rows1, gsem, wsem0, wsem1):
        wid = lax.axis_index("s") * NC + lax.axis_index("c")
        base = wid * rows_per_tile
        b_img = base // (C * rbc)
        pltpu.sync_copy(perms_hbm, perms_v)
        iota = lax.iota(jnp.int32, L)
        rows = (rows0, rows1)
        wsem = (wsem0, wsem1)

        def rel_body(m, carry):
            j = m * L + iota
            ph = lax.rem(j, nh)
            h = lax.div(j, nh)
            i = lax.rem(h, PATCH)
            pv = lax.div(h, PATCH)
            pidx = b_img * P + pv * nh + ph
            s = plsc.load_gather(perms_v, [pidx])
            sv = lax.div(s, nh)
            sh = lax.rem(s, nh)
            rel_v[pl.ds(m * L, L)] = (sv * PATCH + i) * nh + sh
            return carry

        lax.fori_loop(0, rbc // L, rel_body, 0)

        def pair_body(g2, carry):
            for sl in range(2):
                gg = g2 * 2 + sl
                r0 = base + gg * CH
                plane = lax.div(r0, rbc) * rbc
                off = lax.rem(r0, rbc)
                table = img_hbm.at[pl.ds(plane, rbc)]

                @pl.when(gg >= 2)
                def _():
                    pltpu.make_async_copy(
                        rows[sl], out_hbm.at[pl.ds(r0, CH)], wsem[sl]).wait()

                for j in range(NSTR):
                    pltpu.make_async_copy(
                        table.at[rel_v.at[pl.ds(off + j * GS, GS)]],
                        rows[sl].at[pl.ds(j * GS, GS)],
                        gsem,
                    ).start()

                for j in range(NSTR):
                    pltpu.make_async_copy(
                        table.at[rel_v.at[pl.ds(off + j * GS, GS)]],
                        rows[sl].at[pl.ds(j * GS, GS)],
                        gsem,
                    ).wait()

                pltpu.make_async_copy(
                    rows[sl], out_hbm.at[pl.ds(r0, CH)], wsem[sl]).start()
            return carry

        lax.fori_loop(0, nchunk // 2, pair_body, 0)

        for sl in range(2):
            pltpu.make_async_copy(
                rows[sl], out_hbm.at[pl.ds(base, CH)], wsem[sl]).wait()

    return shuffle


def kernel(img, perms):
    B, C, H, W = img.shape
    nh = W // PATCH
    R = B * C * H * nh
    table = img.reshape(R, L)
    out = _build(B, C, H, W)(table, perms.reshape(-1).astype(jnp.int32))
    return out.reshape(B, C, H, W)

# --- scband reference (transcript-rebuilt; emitter-appended) ---
"""Pipeline reference for scband-p-shuffle-62113817035263 (READ-ONLY COPY).

The authoritative reference and input builder live on the scoring server;
editing this copy changes nothing except your own understanding.
"""

import jax, jax.numpy as jnp
import numpy as np

PATCH = 16

def setup_inputs(seed: int = 0) -> dict:
    key = jax.random.key(seed)
    B, C, H, W = 4, 96, 384, 384
    img = jax.random.normal(jax.random.fold_in(key, 0), (B, C, H, W), dtype=jnp.float32)
    nv, nh = H // PATCH, W // PATCH
    P = nv * nh
    # per-image random patch permutation (stands in for random.shuffle, fixed seed)
    perms = jnp.stack([jax.random.permutation(jax.random.fold_in(key, 1000 + i), P) for i in range(B)])
    return {"img": img, "perms": perms}

def reference(img, perms):
    B, C, H, W = img.shape
    nv, nh = H // PATCH, W // PATCH
    P = nv * nh
    # split image into patches: [B, P, C, ph, pw]
    patches = img.reshape(B, C, nv, PATCH, nh, PATCH)
    patches = patches.transpose(0, 2, 4, 1, 3, 5).reshape(B, P, C, PATCH, PATCH)
    # shuffled list placed back sequentially == gather by permutation
    shuffled = jnp.take_along_axis(patches, perms[:, :, None, None, None], axis=1)
    # reassemble into image layout (scatter into zeros_like temp in torch == deterministic reshape here)
    out = shuffled.reshape(B, nv, nh, C, PATCH, PATCH)
    out = out.transpose(0, 3, 1, 4, 2, 5).reshape(B, C, H, W)
    return out

if __name__ == "__main__":
    import jax
    _d = setup_inputs()
    print(jax.jit(kernel)(*tuple(_d.values())))

</pallas_src>

<mosaic_0001>
#map = affine_map<(d0, d1) -> (0, 0)>
#map1 = affine_map<(d0, d1) -> (0)>
module attributes {stable_mosaic.version = 14 : i64} {
  func.func @shuffle(%arg0: i32, %arg1: i32, %arg2: memref<3538944x16xf32, #tpu.memory_space<hbm>>, %arg3: memref<2304xi32, #tpu.memory_space<hbm>>, %arg4: memref<3538944x16xf32, #tpu.memory_space<hbm>>, %arg5: memref<2304xi32, #tpu.memory_space<vmem>>, %arg6: memref<9216xi32, #tpu.memory_space<vmem>>, %arg7: memref<3072x16xf32, #tpu.memory_space<vmem>>, %arg8: memref<3072x16xf32, #tpu.memory_space<vmem>>, %arg9: memref<!tpu.dma_semaphore, #tpu.memory_space<semaphore_mem>>, %arg10: memref<!tpu.dma_semaphore, #tpu.memory_space<semaphore_mem>>, %arg11: memref<!tpu.dma_semaphore, #tpu.memory_space<semaphore_mem>>) attributes {dimension_semantics = [#tpu.dimension_semantics<core_parallel>, #tpu.dimension_semantics<subcore_parallel>], iteration_bounds = array<i64: 2, 16>, scalar_prefetch = 0 : i64, scratch_operands = 7 : i64, tpu.core_type = #tpu.core_type<sc_vector_subcore>, window_params = [{transform_indices = #map}, {transform_indices = #map1}, {transform_indices = #map}]} {
    %mul3A = arith.constant 2 : i32
    %mul3A_0 = arith.muli %arg1, %mul3A : i32
    %add3A = arith.addi %mul3A_0, %arg0 : i32
    %mul3A_1 = arith.constant 110592 : i32
    %mul3A_2 = arith.muli %add3A, %mul3A_1 : i32
    %jit3A = arith.constant 884736 : i32
    %div3A = arith.divsi %mul3A_2, %jit3A : i32
    %sign3A = arith.constant 0 : i32
    %sign3A_3 = arith.cmpi sgt, %mul3A_2, %sign3A : i32
    %sign3A_4 = arith.extui %sign3A_3 : i1 to i32
    %sign3A_5 = arith.constant 0 : i32
    %sign3A_6 = arith.cmpi slt, %mul3A_2, %sign3A_5 : i32
    %sign3A_7 = arith.extui %sign3A_6 : i1 to i32
    %sign3A_8 = arith.subi %sign3A_4, %sign3A_7 : i32
    %sign3A_9 = arith.constant 0 : i32
    %sign3A_10 = arith.cmpi sgt, %jit3A, %sign3A_9 : i32
    %sign3A_11 = arith.extui %sign3A_10 : i1 to i32
    %sign3A_12 = arith.constant 0 : i32
    %sign3A_13 = arith.cmpi slt, %jit3A, %sign3A_12 : i32
    %sign3A_14 = arith.extui %sign3A_13 : i1 to i32
    %sign3A_15 = arith.subi %sign3A_11, %sign3A_14 : i32
    %ne3A = arith.cmpi ne, %sign3A_8, %sign3A_15 : i32
    %rem3A = arith.remsi %mul3A_2, %jit3A : i32
    %ne3A_16 = arith.constant 0 : i32
    %ne3A_17 = arith.cmpi ne, %rem3A, %ne3A_16 : i32
    %and3A = arith.andi %ne3A, %ne3A_17 : i1
    %sub3A = arith.constant 1 : i32
    %sub3A_18 = arith.subi %div3A, %sub3A : i32
    %select_n3A = arith.select %and3A, %sub3A_18, %div3A : i32
    "tpu.region"() ({
      %run_scoped3A = tpu.sem_alloc : memref<!tpu.dma_semaphore, #tpu.memory_space<semaphore_mem>>
      tpu.enqueue_dma source(%arg3 : memref<2304xi32, #tpu.memory_space<hbm>>) target(%arg5 : memref<2304xi32, #tpu.memory_space<vmem>>) target_semaphore(%run_scoped3A : memref<!tpu.dma_semaphore, #tpu.memory_space<semaphore_mem>>)
      tpu.wait_dma2 semaphore(%run_scoped3A : memref<!tpu.dma_semaphore, #tpu.memory_space<semaphore_mem>>) src(%arg3 : memref<2304xi32, #tpu.memory_space<hbm>>) dst(%arg5 : memref<2304xi32, #tpu.memory_space<vmem>>)
      tpu.yield
    }) : () -> ()
    %iota3A = tpu.iota {dimensions = array<i32: 0>} : vector<16xi32>
    %scan3A = arith.constant 0 : i32
    %scan3A_19 = arith.constant 0 : i32
    %scan3A_20 = arith.constant 576 : i32
    %scan3A_21 = arith.addi %scan3A_19, %scan3A_20 : i32
    %scan3A_22 = arith.constant 1 : i32
    scf.for %scan3A_37 = %scan3A_19 to %scan3A_21 step %scan3A_22  : i32 {
      %mul3A_38 = arith.constant 16 : i32
      %mul3A_39 = arith.muli %scan3A_37, %mul3A_38 : i32
      %add3A_40 = vector.broadcast %mul3A_39 : i32 to vector<16xi32>
      %add3A_41 = arith.addi %add3A_40, %iota3A : vector<16xi32>
      %rem3A_42 = arith.constant 24 : i32
      %rem3A_43 = vector.broadcast %rem3A_42 : i32 to vector<16xi32>
      %rem3A_44 = arith.remsi %add3A_41, %rem3A_43 : vector<16xi32>
      %div3A_45 = arith.constant 24 : i32
      %div3A_46 = vector.broadcast %div3A_45 : i32 to vector<16xi32>
      %div3A_47 = arith.divsi %add3A_41, %div3A_46 : vector<16xi32>
      %rem3A_48 = arith.constant 16 : i32
      %rem3A_49 = vector.broadcast %rem3A_48 : i32 to vector<16xi32>
      %rem3A_50 = arith.remsi %div3A_47, %rem3A_49 : vector<16xi32>
      %div3A_51 = arith.constant 16 : i32
      %div3A_52 = vector.broadcast %div3A_51 : i32 to vector<16xi32>
      %div3A_53 = arith.divsi %div3A_47, %div3A_52 : vector<16xi32>
      %mul3A_54 = arith.constant 576 : i32
      %mul3A_55 = arith.muli %select_n3A, %mul3A_54 : i32
      %mul3A_56 = arith.constant 24 : i32
      %mul3A_57 = vector.broadcast %mul3A_56 : i32 to vector<16xi32>
      %mul3A_58 = arith.muli %div3A_53, %mul3A_57 : vector<16xi32>
      %add3A_59 = vector.broadcast %mul3A_55 : i32 to vector<16xi32>
      %add3A_60 = arith.addi %add3A_59, %mul3A_58 : vector<16xi32>
      %add3A_61 = arith.addi %add3A_60, %rem3A_44 : vector<16xi32>
      %gather3A = tpu.vector_load_idx %arg5[%add3A_61] : memref<2304xi32, #tpu.memory_space<vmem>>[vector<16xi32>], vector<16xi32>,
      %div3A_62 = arith.constant 24 : i32
      %div3A_63 = vector.broadcast %div3A_62 : i32 to vector<16xi32>
      %div3A_64 = arith.divsi %gather3A, %div3A_63 : vector<16xi32>
      %rem3A_65 = arith.constant 24 : i32
      %rem3A_66 = vector.broadcast %rem3A_65 : i32 to vector<16xi32>
      %rem3A_67 = arith.remsi %gather3A, %rem3A_66 : vector<16xi32>
      %mul3A_68 = arith.constant 16 : i32
      %mul3A_69 = vector.broadcast %mul3A_68 : i32 to vector<16xi32>
      %mul3A_70 = arith.muli %div3A_64, %mul3A_69 : vector<16xi32>
      %add3A_71 = arith.addi %mul3A_70, %rem3A_50 : vector<16xi32>
      %mul3A_72 = arith.constant 24 : i32
      %mul3A_73 = vector.broadcast %mul3A_72 : i32 to vector<16xi32>
      %mul3A_74 = arith.muli %add3A_71, %mul3A_73 : vector<16xi32>
      %add3A_75 = arith.addi %mul3A_74, %rem3A_67 : vector<16xi32>
      %mul3A_76 = arith.constant 16 : i32
      %mul3A_77 = arith.muli %scan3A_37, %mul3A_76 : i32
      %swap3A = arith.index_cast %mul3A_77 : i32 to index
      %swap3A_78 = tpu.vector_load %arg6[%swap3A] {strides = array<i32>} : memref<9216xi32, #tpu.memory_space<vmem>>, vector<16xi32>,
      tpu.vector_store %arg6[%swap3A], %add3A_75 {strides = array<i32>} : memref<9216xi32, #tpu.memory_space<vmem>>, vector<16xi32>,
    }
    %scan3A_23 = arith.constant 576 : i32
    %scan3A_24 = arith.constant 0 : i32
    %scan3A_25 = arith.constant 0 : i32
    %scan3A_26 = arith.constant 18 : i32
    %scan3A_27 = arith.addi %scan3A_25, %scan3A_26 : i32
    %scan3A_28 = arith.constant 1 : i32
    scf.for %scan3A_37 = %scan3A_25 to %scan3A_27 step %scan3A_28  : i32 {
      %mul3A_38 = arith.constant 2 : i32
      %mul3A_39 = arith.muli %scan3A_37, %mul3A_38 : i32
      %add3A_40 = arith.constant 0 : i32
      %add3A_41 = arith.addi %mul3A_39, %add3A_40 : i32
      %mul3A_42 = arith.constant 3072 : i32
      %mul3A_43 = arith.muli %add3A_41, %mul3A_42 : i32
      %add3A_44 = arith.addi %mul3A_2, %mul3A_43 : i32
      %div3A_45 = arith.constant 9216 : i32
      %div3A_46 = arith.divsi %add3A_44, %div3A_45 : i32
      %mul3A_47 = arith.constant 9216 : i32
      %mul3A_48 = arith.muli %div3A_46, %mul3A_47 : i32
      %rem3A_49 = arith.constant 9216 : i32
      %rem3A_50 = arith.remsi %add3A_44, %rem3A_49 : i32
      %ge3A = arith.constant 2 : i32
      %ge3A_51 = arith.cmpi sge, %add3A_41, %ge3A : i32
      %convert_element_type3A = arith.extui %ge3A_51 : i1 to i32
      %cond3A = arith.constant 0 : i32
      %cond3A_52 = arith.cmpi ne, %convert_element_type3A, %cond3A : i32
      scf.if %cond3A_52 {
        %dma_wait3A_606 = arith.constant 0 : i32
        %dma_wait3A_607 = tpu.memref_slice %arg4[%add3A_44, %dma_wait3A_606] : memref<3538944x16xf32, #tpu.memory_space<hbm>> -> memref<3072x16xf32, #tpu.memory_space<hbm>>
        %dma_wait3A_608 = arith.constant 0 : i32
        %dma_wait3A_609 = tpu.memref_slice %arg4[%add3A_44, %dma_wait3A_608] : memref<3538944x16xf32, #tpu.memory_space<hbm>> -> memref<3072x16xf32, #tpu.memory_space<hbm>>
        tpu.wait_dma2 semaphore(%arg10 : memref<!tpu.dma_semaphore, #tpu.memory_space<semaphore_mem>>) src(%arg7 : memref<3072x16xf32, #tpu.memory_space<vmem>>) dst(%dma_wait3A_609 : memref<3072x16xf32, #tpu.memory_space<hbm>>)
      } else {
      }
      %add3A_53 = arith.constant 0 : i32
      %add3A_54 = arith.addi %rem3A_50, %add3A_53 : i32
      %dma_start3A = arith.constant 0 : i32
      %dma_start3A_55 = arith.constant 0 : i32
      %dma_start3A_56 = tpu.memref_slice %arg7[%dma_start3A, %dma_start3A_55] : memref<3072x16xf32, #tpu.memory_space<vmem>> -> memref<256x16xf32, #tpu.memory_space<vmem>>
      %dma_start3A_57 = tpu.memref_slice %arg6[%add3A_54] : memref<9216xi32, #tpu.memory_space<vmem>> -> memref<256xi32, #tpu.memory_space<vmem>>
      %dma_start3A_58 = arith.constant 0 : i32
      %dma_start3A_59 = tpu.memref_slice %arg2[%mul3A_48, %dma_start3A_58] : memref<3538944x16xf32, #tpu.memory_space<hbm>> -> memref<9216x16xf32, #tpu.memory_space<hbm>>
      %dma_start3A_60 = arith.constant 0 : i32
      %dma_start3A_61 = arith.constant 0 : i32
      %dma_start3A_62 = tpu.memref_slice %dma_start3A_59[%dma_start3A_60, %dma_start3A_61] : memref<9216x16xf32, #tpu.memory_space<hbm>> -> memref<9216x16xf32, #tpu.memory_space<hbm>>
      tpu.enqueue_indirect_dma source(%dma_start3A_62 : memref<9216x16xf32, #tpu.memory_space<hbm>>) target(%dma_start3A_56 : memref<256x16xf32, #tpu.memory_space<vmem>>) offsets(%dma_start3A_57 : memref<256xi32, #tpu.memory_space<vmem>>) semaphore(%arg9 : memref<!tpu.dma_semaphore, #tpu.memory_space<semaphore_mem>>)
      %add3A_63 = arith.constant 256 : i32
      %add3A_64 = arith.addi %rem3A_50, %add3A_63 : i32
      %dma_start3A_65 = arith.constant 256 : i32
      %dma_start3A_66 = arith.constant 0 : i32
      %dma_start3A_67 = tpu.memref_slice %arg7[%dma_start3A_65, %dma_start3A_66] : memref<3072x16xf32, #tpu.memory_space<vmem>> -> memref<256x16xf32, #tpu.memory_space<vmem>>
      %dma_start3A_68 = tpu.memref_slice %arg6[%add3A_64] : memref<9216xi32, #tpu.memory_space<vmem>> -> memref<256xi32, #tpu.memory_space<vmem>>
      %dma_start3A_69 = arith.constant 0 : i32
      %dma_start3A_70 = tpu.memref_slice %arg2[%mul3A_48, %dma_start3A_69] : memref<3538944x16xf32, #tpu.memory_space<hbm>> -> memref<9216x16xf32, #tpu.memory_space<hbm>>
      %dma_start3A_71 = arith.constant 0 : i32
      %dma_start3A_72 = arith.constant 0 : i32
      %dma_start3A_73 = tpu.memref_slice %dma_start3A_70[%dma_start3A_71, %dma_start3A_72] : memref<9216x16xf32, #tpu.memory_space<hbm>> -> memref<9216x16xf32, #tpu.memory_space<hbm>>
      tpu.enqueue_indirect_dma source(%dma_start3A_73 : memref<9216x16xf32, #tpu.memory_space<hbm>>) target(%dma_start3A_67 : memref<256x16xf32, #tpu.memory_space<vmem>>) offsets(%dma_start3A_68 : memref<256xi32, #tpu.memory_space<vmem>>) semaphore(%arg9 : memref<!tpu.dma_semaphore, #tpu.memory_space<semaphore_mem>>)
      %add3A_74 = arith.constant 512 : i32
      %add3A_75 = arith.addi %rem3A_50, %add3A_74 : i32
      %dma_start3A_76 = arith.constant 512 : i32
      %dma_start3A_77 = arith.constant 0 : i32
      %dma_start3A_78 = tpu.memref_slice %arg7[%dma_start3A_76, %dma_start3A_77] : memref<3072x16xf32, #tpu.memory_space<vmem>> -> memref<256x16xf32, #tpu.memory_space<vmem>>
      %dma_start3A_79 = tpu.memref_slice %arg6[%add3A_75] : memref<9216xi32, #tpu.memory_space<vmem>> -> memref<256xi32, #tpu.memory_space<vmem>>
      %dma_start3A_80 = arith.constant 0 : i32
      %dma_start3A_81 = tpu.memref_slice %arg2[%mul3A_48, %dma_start3A_80] : memref<3538944x16xf32, #tpu.memory_space<hbm>> -> memref<9216x16xf32, #tpu.memory_space<hbm>>
      %dma_start3A_82 = arith.constant 0 : i32
      %dma_start3A_83 = arith.constant 0 : i32
      %dma_start3A_84 = tpu.memref_slice %dma_start3A_81[%dma_start3A_82, %dma_start3A_83] : memref<9216x16xf32, #tpu.memory_space<hbm>> -> memref<9216x16xf32, #tpu.memory_space<hbm>>
      tpu.enqueue_indirect_dma source(%dma_start3A_84 : memref<9216x16xf32, #tpu.memory_space<hbm>>) target(%dma_start3A_78 : memref<256x16xf32, #tpu.memory_space<vmem>>) offsets(%dma_start3A_79 : memref<256xi32, #tpu.memory_space<vmem>>) semaphore(%arg9 : memref<!tpu.dma_semaphore, #tpu.memory_space<semaphore_mem>>)
      %add3A_85 = arith.constant 768 : i32
      %add3A_86 = arith.addi %rem3A_50, %add3A_85 : i32
      %dma_start3A_87 = arith.constant 768 : i32
      %dma_start3A_88 = arith.constant 0 : i32
      %dma_start3A_89 = tpu.memref_slice %arg7[%dma_start3A_87, %dma_start3A_88] : memref<3072x16xf32, #tpu.memory_space<vmem>> -> memref<256x16xf32, #tpu.memory_space<vmem>>
      %dma_start3A_90 = tpu.memref_slice %arg6[%add3A_86] : memref<9216xi32, #tpu.memory_space<vmem>> -> memref<256xi32, #tpu.memory_space<vmem>>
      %dma_start3A_91 = arith.constant 0 : i32
      %dma_start3A_92 = tpu.memref_slice %arg2[%mul3A_48, %dma_start3A_91] : memref<3538944x16xf32, #tpu.memory_space<hbm>> -> memref<9216x16xf32, #tpu.memory_space<hbm>>
      %dma_start3A_93 = arith.constant 0 : i32
      %dma_start3A_94 = arith.constant 0 : i32
      %dma_start3A_95 = tpu.memref_slice %dma_start3A_92[%dma_start3A_93, %dma_start3A_94] : memref<9216x16xf32, #tpu.memory_space<hbm>> -> memref<9216x16xf32, #tpu.memory_space<hbm>>
      tpu.enqueue_indirect_dma source(%dma_start3A_95 : memref<9216x16xf32, #tpu.memory_space<hbm>>) target(%dma_start3A_89 : memref<256x16xf32, #tpu.memory_space<vmem>>) offsets(%dma_start3A_90 : memref<256xi32, #tpu.memory_space<vmem>>) semaphore(%arg9 : memref<!tpu.dma_semaphore, #tpu.memory_space<semaphore_mem>>)
      %add3A_96 = arith.constant 1024 : i32
      %add3A_97 = arith.addi %rem3A_50, %add3A_96 : i32
      %dma_start3A_98 = arith.constant 1024 : i32
      %dma_start3A_99 = arith.constant 0 : i32
      %dma_start3A_100 = tpu.memref_slice %arg7[%dma_start3A_98, %dma_start3A_99] : memref<3072x16xf32, #tpu.memory_space<vmem>> -> memref<256x16xf32, #tpu.memory_space<vmem>>
      %dma_start3A_101 = tpu.memref_slice %arg6[%add3A_97] : memref<9216xi32, #tpu.memory_space<vmem>> -> memref<256xi32, #tpu.memory_space<vmem>>
      %dma_start3A_102 = arith.constant 0 : i32
      %dma_start3A_103 = tpu.memref_slice %arg2[%mul3A_48, %dma_start3A_102] : memref<3538944x16xf32, #tpu.memory_space<hbm>> -> memref<9216x16xf32, #tpu.memory_space<hbm>>
      %dma_start3A_104 = arith.constant 0 : i32
      %dma_start3A_105 = arith.constant 0 : i32
      %dma_start3A_106 = tpu.memref_slice %dma_start3A_103[%dma_start3A_104, %dma_start3A_105] : memref<9216x16xf32, #tpu.memory_space<hbm>> -> memref<9216x16xf32, #tpu.memory_space<hbm>>
      tpu.enqueue_indirect_dma source(%dma_start3A_106 : memref<9216x16xf32, #tpu.memory_space<hbm>>) target(%dma_start3A_100 : memref<256x16xf32, #tpu.memory_space<vmem>>) offsets(%dma_start3A_101 : memref<256xi32, #tpu.memory_space<vmem>>) semaphore(%arg9 : memref<!tpu.dma_semaphore, #tpu.memory_space<semaphore_mem>>)
      %add3A_107 = arith.constant 1280 : i32
      %add3A_108 = arith.addi %rem3A_50, %add3A_107 : i32
      %dma_start3A_109 = arith.constant 1280 : i32
      %dma_start3A_110 = arith.constant 0 : i32
      %dma_start3A_111 = tpu.memref_slice %arg7[%dma_start3A_109, %dma_start3A_110] : memref<3072x16xf32, #tpu.memory_space<vmem>> -> memref<256x16xf32, #tpu.memory_space<vmem>>
      %dma_start3A_112 = tpu.memref_slice %arg6[%add3A_108] : memref<9216xi32, #tpu.memory_space<vmem>> -> memref<256xi32, #tpu.memory_space<vmem>>
      %dma_start3A_113 = arith.constant 0 : i32
      %dma_start3A_114 = tpu.memref_slice %arg2[%mul3A_48, %dma_start3A_113] : memref<3538944x16xf32, #tpu.memory_space<hbm>> -> memref<9216x16xf32, #tpu.memory_space<hbm>>
      %dma_start3A_115 = arith.constant 0 : i32
      %dma_start3A_116 = arith.constant 0 : i32
      %dma_start3A_117 = tpu.memref_slice %dma_start3A_114[%dma_start3A_115, %dma_start3A_116] : memref<9216x16xf32, #tpu.memory_space<hbm>> -> memref<9216x16xf32, #tpu.memory_space<hbm>>
      tpu.enqueue_indirect_dma source(%dma_start3A_117 : memref<9216x16xf32, #tpu.memory_space<hbm>>) target(%dma_start3A_111 : memref<256x16xf32, #tpu.memory_space<vmem>>) offsets(%dma_start3A_112 : memref<256xi32, #tpu.memory_space<vmem>>) semaphore(%arg9 : memref<!tpu.dma_semaphore, #tpu.memory_space<semaphore_mem>>)
      %add3A_118 = arith.constant 1536 : i32
      %add3A_119 = arith.addi %rem3A_50, %add3A_118 : i32
      %dma_start3A_120 = arith.constant 1536 : i32
      %dma_start3A_121 = arith.constant 0 : i32
      %dma_start3A_122 = tpu.memref_slice %arg7[%dma_start3A_120, %dma_start3A_121] : memref<3072x16xf32, #tpu.memory_space<vmem>> -> memref<256x16xf32, #tpu.memory_space<vmem>>
      %dma_start3A_123 = tpu.memref_slice %arg6[%add3A_119] : memref<9216xi32, #tpu.memory_space<vmem>> -> memref<256xi32, #tpu.memory_space<vmem>>
      %dma_start3A_124 = arith.constant 0 : i32
      %dma_start3A_125 = tpu.memref_slice %arg2[%mul3A_48, %dma_start3A_124] : memref<3538944x16xf32, #tpu.memory_space<hbm>> -> memref<9216x16xf32, #tpu.memory_space<hbm>>
      %dma_start3A_126 = arith.constant 0 : i32
      %dma_start3A_127 = arith.constant 0 : i32
      %dma_start3A_128 = tpu.memref_slice %dma_start3A_125[%dma_start3A_126, %dma_start3A_127] : memref<9216x16xf32, #tpu.memory_space<hbm>> -> memref<9216x16xf32, #tpu.memory_space<hbm>>
      tpu.enqueue_indirect_dma source(%dma_start3A_128 : memref<9216x16xf32, #tpu.memory_space<hbm>>) target(%dma_start3A_122 : memref<256x16xf32, #tpu.memory_space<vmem>>) offsets(%dma_start3A_123 : memref<256xi32, #tpu.memory_space<vmem>>) semaphore(%arg9 : memref<!tpu.dma_semaphore, #tpu.memory_space<semaphore_mem>>)
      %add3A_129 = arith.constant 1792 : i32
      %add3A_130 = arith.addi %rem3A_50, %add3A_129 : i32
      %dma_start3A_131 = arith.constant 1792 : i32
      %dma_start3A_132 = arith.constant 0 : i32
      %dma_start3A_133 = tpu.memref_slice %arg7[%dma_start3A_131, %dma_start3A_132] : memref<3072x16xf32, #tpu.memory_space<vmem>> -> memref<256x16xf32, #tpu.memory_space<vmem>>
      %dma_start3A_134 = tpu.memref_slice %arg6[%add3A_130] : memref<9216xi32, #tpu.memory_space<vmem>> -> memref<256xi32, #tpu.memory_space<vmem>>
      %dma_start3A_135 = arith.constant 0 : i32
      %dma_start3A_136 = tpu.memref_slice %arg2[%mul3A_48, %dma_start3A_135] : memref<3538944x16xf32, #tpu.memory_space<hbm>> -> memref<9216x16xf32, #tpu.memory_space<hbm>>
      %dma_start3A_137 = arith.constant 0 : i32
      %dma_start3A_138 = arith.constant 0 : i32
      %dma_start3A_139 = tpu.memref_slice %dma_start3A_136[%dma_start3A_137, %dma_start3A_138] : memref<9216x16xf32, #tpu.memory_space<hbm>> -> memref<9216x16xf32, #tpu.memory_space<hbm>>
      tpu.enqueue_indirect_dma source(%dma_start3A_139 : memref<9216x16xf32, #tpu.memory_space<hbm>>) target(%dma_start3A_133 : memref<256x16xf32, #tpu.memory_space<vmem>>) offsets(%dma_start3A_134 : memref<256xi32, #tpu.memory_space<vmem>>) semaphore(%arg9 : memref<!tpu.dma_semaphore, #tpu.memory_space<semaphore_mem>>)
      %add3A_140 = arith.constant 2048 : i32
      %add3A_141 = arith.addi %rem3A_50, %add3A_140 : i32
      %dma_start3A_142 = arith.constant 2048 : i32
      %dma_start3A_143 = arith.constant 0 : i32
      %dma_start3A_144 = tpu.memref_slice %arg7[%dma_start3A_142, %dma_start3A_143] : memref<3072x16xf32, #tpu.memory_space<vmem>> -> memref<256x16xf32, #tpu.memory_space<vmem>>
      %dma_start3A_145 = tpu.memref_slice %arg6[%add3A_141] : memref<9216xi32, #tpu.memory_space<vmem>> -> memref<256xi32, #tpu.memory_space<vmem>>
      %dma_start3A_146 = arith.constant 0 : i32
      %dma_start3A_147 = tpu.memref_slice %arg2[%mul3A_48, %dma_start3A_146] : memref<3538944x16xf32, #tpu.memory_space<hbm>> -> memref<9216x16xf32, #tpu.memory_space<hbm>>
      %dma_start3A_148 = arith.constant 0 : i32
      %dma_start3A_149 = arith.constant 0 : i32
      %dma_start3A_150 = tpu.memref_slice %dma_start3A_147[%dma_start3A_148, %dma_start3A_149] : memref<9216x16xf32, #tpu.memory_space<hbm>> -> memref<9216x16xf32, #tpu.memory_space<hbm>>
      tpu.enqueue_indirect_dma source(%dma_start3A_150 : memref<9216x16xf32, #tpu.memory_space<hbm>>) target(%dma_start3A_144 : memref<256x16xf32, #tpu.memory_space<vmem>>) offsets(%dma_start3A_145 : memref<256xi32, #tpu.memory_space<vmem>>) semaphore(%arg9 : memref<!tpu.dma_semaphore, #tpu.memory_space<semaphore_mem>>)
      %add3A_151 = arith.constant 2304 : i32
      %add3A_152 = arith.addi %rem3A_50, %add3A_151 : i32
      %dma_start3A_153 = arith.constant 2304 : i32
      %dma_start3A_154 = arith.constant 0 : i32
      %dma_start3A_155 = tpu.memref_slice %arg7[%dma_start3A_153, %dma_start3A_154] : memref<3072x16xf32, #tpu.memory_space<vmem>> -> memref<256x16xf32, #tpu.memory_space<vmem>>
      %dma_start3A_156 = tpu.memref_slice %arg6[%add3A_152] : memref<9216xi32, #tpu.memory_space<vmem>> -> memref<256xi32, #tpu.memory_space<vmem>>
      %dma_start3A_157 = arith.constant 0 : i32
      %dma_start3A_158 = tpu.memref_slice %arg2[%mul3A_48, %dma_start3A_157] : memref<3538944x16xf32, #tpu.memory_space<hbm>> -> memref<9216x16xf32, #tpu.memory_space<hbm>>
      %dma_start3A_159 = arith.constant 0 : i32
      %dma_start3A_160 = arith.constant 0 : i32
      %dma_start3A_161 = tpu.memref_slice %dma_start3A_158[%dma_start3A_159, %dma_start3A_160] : memref<9216x16xf32, #tpu.memory_space<hbm>> -> memref<9216x16xf32, #tpu.memory_space<hbm>>
      tpu.enqueue_indirect_dma source(%dma_start3A_161 : memref<9216x16xf32, #tpu.memory_space<hbm>>) target(%dma_start3A_155 : memref<256x16xf32, #tpu.memory_space<vmem>>) offsets(%dma_start3A_156 : memref<256xi32, #tpu.memory_space<vmem>>) semaphore(%arg9 : memref<!tpu.dma_semaphore, #tpu.memory_space<semaphore_mem>>)
      %add3A_162 = arith.constant 2560 : i32
      %add3A_163 = arith.addi %rem3A_50, %add3A_162 : i32
      %dma_start3A_164 = arith.constant 2560 : i32
      %dma_start3A_165 = arith.constant 0 : i32
      %dma_start3A_166 = tpu.memref_slice %arg7[%dma_start3A_164, %dma_start3A_165] : memref<3072x16xf32, #tpu.memory_space<vmem>> -> memref<256x16xf32, #tpu.memory_space<vmem>>
      %dma_start3A_167 = tpu.memref_slice %arg6[%add3A_163] : memref<9216xi32, #tpu.memory_space<vmem>> -> memref<256xi32, #tpu.memory_space<vmem>>
      %dma_start3A_168 = arith.constant 0 : i32
      %dma_start3A_169 = tpu.memref_slice %arg2[%mul3A_48, %dma_start3A_168] : memref<3538944x16xf32, #tpu.memory_space<hbm>> -> memref<9216x16xf32, #tpu.memory_space<hbm>>
      %dma_start3A_170 = arith.constant 0 : i32
      %dma_start3A_171 = arith.constant 0 : i32
      %dma_start3A_172 = tpu.memref_slice %dma_start3A_169[%dma_start3A_170, %dma_start3A_171] : memref<9216x16xf32, #tpu.memory_space<hbm>> -> memref<9216x16xf32, #tpu.memory_space<hbm>>
      tpu.enqueue_indirect_dma source(%dma_start3A_172 : memref<9216x16xf32, #tpu.memory_space<hbm>>) target(%dma_start3A_166 : memref<256x16xf32, #tpu.memory_space<vmem>>) offsets(%dma_start3A_167 : memref<256xi32, #tpu.memory_space<vmem>>) semaphore(%arg9 : memref<!tpu.dma_semaphore, #tpu.memory_space<semaphore_mem>>)
      %add3A_173 = arith.constant 2816 : i32
      %add3A_174 = arith.addi %rem3A_50, %add3A_173 : i32
      %dma_start3A_175 = arith.constant 2816 : i32
      %dma_start3A_176 = arith.constant 0 : i32
      %dma_start3A_177 = tpu.memref_slice %arg7[%dma_start3A_175, %dma_start3A_176] : memref<3072x16xf32, #tpu.memory_space<vmem>> -> memref<256x16xf32, #tpu.memory_space<vmem>>
      %dma_start3A_178 = tpu.memref_slice %arg6[%add3A_174] : memref<9216xi32, #tpu.memory_space<vmem>> -> memref<256xi32, #tpu.memory_space<vmem>>
      %dma_start3A_179 = arith.constant 0 : i32
      %dma_start3A_180 = tpu.memref_slice %arg2[%mul3A_48, %dma_start3A_179] : memref<3538944x16xf32, #tpu.memory_space<hbm>> -> memref<9216x16xf32, #tpu.memory_space<hbm>>
      %dma_start3A_181 = arith.constant 0 : i32
      %dma_start3A_182 = arith.constant 0 : i32
      %dma_start3A_183 = tpu.memref_slice %dma_start3A_180[%dma_start3A_181, %dma_start3A_182] : memref<9216x16xf32, #tpu.memory_space<hbm>> -> memref<9216x16xf32, #tpu.memory_space<hbm>>
      tpu.enqueue_indirect_dma source(%dma_start3A_183 : memref<9216x16xf32, #tpu.memory_space<hbm>>) target(%dma_start3A_177 : memref<256x16xf32, #tpu.memory_space<vmem>>) offsets(%dma_start3A_178 : memref<256xi32, #tpu.memory_space<vmem>>) semaphore(%arg9 : memref<!tpu.dma_semaphore, #tpu.memory_space<semaphore_mem>>)
      %add3A_184 = arith.constant 0 : i32
      %add3A_185 = arith.addi %rem3A_50, %add3A_184 : i32
      %dma_wait3A_186 = arith.constant 0 : i32
      %dma_wait3A_187 = arith.constant 0 : i32
      %dma_wait3A_188 = tpu.memref_slice %arg7[%dma_wait3A_186, %dma_wait3A_187] : memref<3072x16xf32, #tpu.memory_space<vmem>> -> memref<256x16xf32, #tpu.memory_space<vmem>>
      %dma_wait3A_189 = tpu.memref_slice %arg6[%add3A_185] : memref<9216xi32, #tpu.memory_space<vmem>> -> memref<256xi32, #tpu.memory_space<vmem>>
      %dma_wait3A_190 = arith.constant 0 : i32
      %dma_wait3A_191 = tpu.memref_slice %arg2[%mul3A_48, %dma_wait3A_190] : memref<3538944x16xf32, #tpu.memory_space<hbm>> -> memref<9216x16xf32, #tpu.memory_space<hbm>>
      %dma_wait3A_192 = arith.constant 0 : i32
      %dma_wait3A_193 = arith.constant 0 : i32
      %dma_wait3A_194 = tpu.memref_slice %dma_wait3A_191[%dma_wait3A_192, %dma_wait3A_193] : memref<9216x16xf32, #tpu.memory_space<hbm>> -> memref<9216x16xf32, #tpu.memory_space<hbm>>
      tpu.wait_indirect_dma semaphore(%arg9 : memref<!tpu.dma_semaphore, #tpu.memory_space<semaphore_mem>>) src(%dma_wait3A_194 : memref<9216x16xf32, #tpu.memory_space<hbm>>) dst(%dma_wait3A_188 : memref<256x16xf32, #tpu.memory_space<vmem>>)
      %add3A_195 = arith.constant 256 : i32
      %add3A_196 = arith.addi %rem3A_50, %add3A_195 : i32
      %dma_wait3A_197 = arith.constant 256 : i32
      %dma_wait3A_198 = arith.constant 0 : i32
      %dma_wait3A_199 = tpu.memref_slice %arg7[%dma_wait3A_197, %dma_wait3A_198] : memref<3072x16xf32, #tpu.memory_space<vmem>> -> memref<256x16xf32, #tpu.memory_space<vmem>>
      %dma_wait3A_200 = tpu.memref_slice %arg6[%add3A_196] : memref<9216xi32, #tpu.memory_space<vmem>> -> memref<256xi32, #tpu.memory_space<vmem>>
      %dma_wait3A_201 = arith.constant 0 : i32
      %dma_wait3A_202 = tpu.memref_slice %arg2[%mul3A_48, %dma_wait3A_201] : memref<3538944x16xf32, #tpu.memory_space<hbm>> -> memref<9216x16xf32, #tpu.memory_space<hbm>>
      %dma_wait3A_203 = arith.constant 0 : i32
      %dma_wait3A_204 = arith.constant 0 : i32
      %dma_wait3A_205 = tpu.memref_slice %dma_wait3A_202[%dma_wait3A_203, %dma_wait3A_204] : memref<9216x16xf32, #tpu.memory_space<hbm>> -> memref<9216x16xf32, #tpu.memory_space<hbm>>
      tpu.wait_indirect_dma semaphore(%arg9 : memref<!tpu.dma_semaphore, #tpu.memory_space<semaphore_mem>>) src(%dma_wait3A_205 : memref<9216x16xf32, #tpu.memory_space<hbm>>) dst(%dma_wait3A_199 : memref<256x16xf32, #tpu.memory_space<vmem>>)
      %add3A_206 = arith.constant 512 : i32
      %add3A_207 = arith.addi %rem3A_50, %add3A_206 : i32
      %dma_wait3A_208 = arith.constant 512 : i32
      %dma_wait3A_209 = arith.constant 0 : i32
      %dma_wait3A_210 = tpu.memref_slice %arg7[%dma_wait3A_208, %dma_wait3A_209] : memref<3072x16xf32, #tpu.memory_space<vmem>> -> memref<256x16xf32, #tpu.memory_space<vmem>>
      %dma_wait3A_211 = tpu.memref_slice %arg6[%add3A_207] : memref<9216xi32, #tpu.memory_space<vmem>> -> memref<256xi32, #tpu.memory_space<vmem>>
      %dma_wait3A_212 = arith.constant 0 : i32
      %dma_wait3A_213 = tpu.memref_slice %arg2[%mul3A_48, %dma_wait3A_212] : memref<3538944x16xf32, #tpu.memory_space<hbm>> -> memref<9216x16xf32, #tpu.memory_space<hbm>>
      %dma_wait3A_214 = arith.constant 0 : i32
      %dma_wait3A_215 = arith.constant 0 : i32
      %dma_wait3A_216 = tpu.memref_slice %dma_wait3A_213[%dma_wait3A_214, %dma_wait3A_215] : memref<9216x16xf32, #tpu.memory_space<hbm>> -> memref<9216x16xf32, #tpu.memory_space<hbm>>
      tpu.wait_indirect_dma semaphore(%arg9 : memref<!tpu.dma_semaphore, #tpu.memory_space<semaphore_mem>>) src(%dma_wait3A_216 : memref<9216x16xf32, #tpu.memory_space<hbm>>) dst(%dma_wait3A_210 : memref<256x16xf32, #tpu.memory_space<vmem>>)
      %add3A_217 = arith.constant 768 : i32
      %add3A_218 = arith.addi %rem3A_50, %add3A_217 : i32
      %dma_wait3A_219 = arith.constant 768 : i32
      %dma_wait3A_220 = arith.constant 0 : i32
      %dma_wait3A_221 = tpu.memref_slice %arg7[%dma_wait3A_219, %dma_wait3A_220] : memref<3072x16xf32, #tpu.memory_space<vmem>> -> memref<256x16xf32, #tpu.memory_space<vmem>>
      %dma_wait3A_222 = tpu.memref_slice %arg6[%add3A_218] : memref<9216xi32, #tpu.memory_space<vmem>> -> memref<256xi32, #tpu.memory_space<vmem>>
      %dma_wait3A_223 = arith.constant 0 : i32
      %dma_wait3A_224 = tpu.memref_slice %arg2[%mul3A_48, %dma_wait3A_223] : memref<3538944x16xf32, #tpu.memory_space<hbm>> -> memref<9216x16xf32, #tpu.memory_space<hbm>>
      %dma_wait3A_225 = arith.constant 0 : i32
      %dma_wait3A_226 = arith.constant 0 : i32
      %dma_wait3A_227 = tpu.memref_slice %dma_wait3A_224[%dma_wait3A_225, %dma_wait3A_226] : memref<9216x16xf32, #tpu.memory_space<hbm>> -> memref<9216x16xf32, #tpu.memory_space<hbm>>
      tpu.wait_indirect_dma semaphore(%arg9 : memref<!tpu.dma_semaphore, #tpu.memory_space<semaphore_mem>>) src(%dma_wait3A_227 : memref<9216x16xf32, #tpu.memory_space<hbm>>) dst(%dma_wait3A_221 : memref<256x16xf32, #tpu.memory_space<vmem>>)
      %add3A_228 = arith.constant 1024 : i32
      %add3A_229 = arith.addi %rem3A_50, %add3A_228 : i32
      %dma_wait3A_230 = arith.constant 1024 : i32
      %dma_wait3A_231 = arith.constant 0 : i32
      %dma_wait3A_232 = tpu.memref_slice %arg7[%dma_wait3A_230, %dma_wait3A_231] : memref<3072x16xf32, #tpu.memory_space<vmem>> -> memref<256x16xf32, #tpu.memory_space<vmem>>
      %dma_wait3A_233 = tpu.memref_slice %arg6[%add3A_229] : memref<9216xi32, #tpu.memory_space<vmem>> -> memref<256xi32, #tpu.memory_space<vmem>>
      %dma_wait3A_234 = arith.constant 0 : i32
      %dma_wait3A_235 = tpu.memref_slice %arg2[%mul3A_48, %dma_wait3A_234] : memref<3538944x16xf32, #tpu.memory_space<hbm>> -> memref<9216x16xf32, #tpu.memory_space<hbm>>
      %dma_wait3A_236 = arith.constant 0 : i32
      %dma_wait3A_237 = arith.constant 0 : i32
      %dma_wait3A_238 = tpu.memref_slice %dma_wait3A_235[%dma_wait3A_236, %dma_wait3A_237] : memref<9216x16xf32, #tpu.memory_space<hbm>> -> memref<9216x16xf32, #tpu.memory_space<hbm>>
      tpu.wait_indirect_dma semaphore(%arg9 : memref<!tpu.dma_semaphore, #tpu.memory_space<semaphore_mem>>) src(%dma_wait3A_238 : memref<9216x16xf32, #tpu.memory_space<hbm>>) dst(%dma_wait3A_232 : memref<256x16xf32, #tpu.memory_space<vmem>>)
      %add3A_239 = arith.constant 1280 : i32
      %add3A_240 = arith.addi %rem3A_50, %add3A_239 : i32
      %dma_wait3A_241 = arith.constant 1280 : i32
      %dma_wait3A_242 = arith.constant 0 : i32
      %dma_wait3A_243 = tpu.memref_slice %arg7[%dma_wait3A_241, %dma_wait3A_242] : memref<3072x16xf32, #tpu.memory_space<vmem>> -> memref<256x16xf32, #tpu.memory_space<vmem>>
      %dma_wait3A_244 = tpu.memref_slice %arg6[%add3A_240] : memref<9216xi32, #tpu.memory_space<vmem>> -> memref<256xi32, #tpu.memory_space<vmem>>
      %dma_wait3A_245 = arith.constant 0 : i32
      %dma_wait3A_246 = tpu.memref_slice %arg2[%mul3A_48, %dma_wait3A_245] : memref<3538944x16xf32, #tpu.memory_space<hbm>> -> memref<9216x16xf32, #tpu.memory_space<hbm>>
      %dma_wait3A_247 = arith.constant 0 : i32
      %dma_wait3A_248 = arith.constant 0 : i32
      %dma_wait3A_249 = tpu.memref_slice %dma_wait3A_246[%dma_wait3A_247, %dma_wait3A_248] : memref<9216x16xf32, #tpu.memory_space<hbm>> -> memref<9216x16xf32, #tpu.memory_space<hbm>>
      tpu.wait_indirect_dma semaphore(%arg9 : memref<!tpu.dma_semaphore, #tpu.memory_space<semaphore_mem>>) src(%dma_wait3A_249 : memref<9216x16xf32, #tpu.memory_space<hbm>>) dst(%dma_wait3A_243 : memref<256x16xf32, #tpu.memory_space<vmem>>)
      %add3A_250 = arith.constant 1536 : i32
      %add3A_251 = arith.addi %rem3A_50, %add3A_250 : i32
      %dma_wait3A_252 = arith.constant 1536 : i32
      %dma_wait3A_253 = arith.constant 0 : i32
      %dma_wait3A_254 = tpu.memref_slice %arg7[%dma_wait3A_252, %dma_wait3A_253] : memref<3072x16xf32, #tpu.memory_space<vmem>> -> memref<256x16xf32, #tpu.memory_space<vmem>>
      %dma_wait3A_255 = tpu.memref_slice %arg6[%add3A_251] : memref<9216xi32, #tpu.memory_space<vmem>> -> memref<256xi32, #tpu.memory_space<vmem>>
      %dma_wait3A_256 = arith.constant 0 : i32
      %dma_wait3A_257 = tpu.memref_slice %arg2[%mul3A_48, %dma_wait3A_256] : memref<3538944x16xf32, #tpu.memory_space<hbm>> -> memref<9216x16xf32, #tpu.memory_space<hbm>>
      %dma_wait3A_258 = arith.constant 0 : i32
      %dma_wait3A_259 = arith.constant 0 : i32
      %dma_wait3A_260 = tpu.memref_slice %dma_wait3A_257[%dma_wait3A_258, %dma_wait3A_259] : memref<9216x16xf32, #tpu.memory_space<hbm>> -> memref<9216x16xf32, #tpu.memory_space<hbm>>
      tpu.wait_indirect_dma semaphore(%arg9 : memref<!tpu.dma_semaphore, #tpu.memory_space<semaphore_mem>>) src(%dma_wait3A_260 : memref<9216x16xf32, #tpu.memory_space<hbm>>) dst(%dma_wait3A_254 : memref<256x16xf32, #tpu.memory_space<vmem>>)
      %add3A_261 = arith.constant 1792 : i32
      %add3A_262 = arith.addi %rem3A_50, %add3A_261 : i32
      %dma_wait3A_263 = arith.constant 1792 : i32
      %dma_wait3A_264 = arith.constant 0 : i32
      %dma_wait3A_265 = tpu.memref_slice %arg7[%dma_wait3A_263, %dma_wait3A_264] : memref<3072x16xf32, #tpu.memory_space<vmem>> -> memref<256x16xf32, #tpu.memory_space<vmem>>
      %dma_wait3A_266 = tpu.memref_slice %arg6[%add3A_262] : memref<9216xi32, #tpu.memory_space<vmem>> -> memref<256xi32, #tpu.memory_space<vmem>>
      %dma_wait3A_267 = arith.constant 0 : i32
      %dma_wait3A_268 = tpu.memref_slice %arg2[%mul3A_48, %dma_wait3A_267] : memref<3538944x16xf32, #tpu.memory_space<hbm>> -> memref<9216x16xf32, #tpu.memory_space<hbm>>
      %dma_wait3A_269 = arith.constant 0 : i32
      %dma_wait3A_270 = arith.constant 0 : i32
      %dma_wait3A_271 = tpu.memref_slice %dma_wait3A_268[%dma_wait3A_269, %dma_wait3A_270] : memref<9216x16xf32, #tpu.memory_space<hbm>> -> memref<9216x16xf32, #tpu.memory_space<hbm>>
      tpu.wait_indirect_dma semaphore(%arg9 : memref<!tpu.dma_semaphore, #tpu.memory_space<semaphore_mem>>) src(%dma_wait3A_271 : memref<9216x16xf32, #tpu.memory_space<hbm>>) dst(%dma_wait3A_265 : memref<256x16xf32, #tpu.memory_space<vmem>>)
      %add3A_272 = arith.constant 2048 : i32
      %add3A_273 = arith.addi %rem3A_50, %add3A_272 : i32
      %dma_wait3A_274 = arith.constant 2048 : i32
      %dma_wait3A_275 = arith.constant 0 : i32
      %dma_wait3A_276 = tpu.memref_slice %arg7[%dma_wait3A_274, %dma_wait3A_275] : memref<3072x16xf32, #tpu.memory_space<vmem>> -> memref<256x16xf32, #tpu.memory_space<vmem>>
      %dma_wait3A_277 = tpu.memref_slice %arg6[%add3A_273] : memref<9216xi32, #tpu.memory_space<vmem>> -> memref<256xi32, #tpu.memory_space<vmem>>
      %dma_wait3A_278 = arith.constant 0 : i32
      %dma_wait3A_279 = tpu.memref_slice %arg2[%mul3A_48, %dma_wait3A_278] : memref<3538944x16xf32, #tpu.memory_space<hbm>> -> memref<9216x16xf32, #tpu.memory_space<hbm>>
      %dma_wait3A_280 = arith.constant 0 : i32
      %dma_wait3A_281 = arith.constant 0 : i32
      %dma_wait3A_282 = tpu.memref_slice %dma_wait3A_279[%dma_wait3A_280, %dma_wait3A_281] : memref<9216x16xf32, #tpu.memory_space<hbm>> -> memref<9216x16xf32, #tpu.memory_space<hbm>>
      tpu.wait_indirect_dma semaphore(%arg9 : memref<!tpu.dma_semaphore, #tpu.memory_space<semaphore_mem>>) src(%dma_wait3A_282 : memref<9216x16xf32, #tpu.memory_space<hbm>>) dst(%dma_wait3A_276 : memref<256x16xf32, #tpu.memory_space<vmem>>)
      %add3A_283 = arith.constant 2304 : i32
      %add3A_284 = arith.addi %rem3A_50, %add3A_283 : i32
      %dma_wait3A_285 = arith.constant 2304 : i32
      %dma_wait3A_286 = arith.constant 0 : i32
      %dma_wait3A_287 = tpu.memref_slice %arg7[%dma_wait3A_285, %dma_wait3A_286] : memref<3072x16xf32, #tpu.memory_space<vmem>> -> memref<256x16xf32, #tpu.memory_space<vmem>>
      %dma_wait3A_288 = tpu.memref_slice %arg6[%add3A_284] : memref<9216xi32, #tpu.memory_space<vmem>> -> memref<256xi32, #tpu.memory_space<vmem>>
      %dma_wait3A_289 = arith.constant 0 : i32
      %dma_wait3A_290 = tpu.memref_slice %arg2[%mul3A_48, %dma_wait3A_289] : memref<3538944x16xf32, #tpu.memory_space<hbm>> -> memref<9216x16xf32, #tpu.memory_space<hbm>>
      %dma_wait3A_291 = arith.constant 0 : i32
      %dma_wait3A_292 = arith.constant 0 : i32
      %dma_wait3A_293 = tpu.memref_slice %dma_wait3A_290[%dma_wait3A_291, %dma_wait3A_292] : memref<9216x16xf32, #tpu.memory_space<hbm>> -> memref<9216x16xf32, #tpu.memory_space<hbm>>
      tpu.wait_indirect_dma semaphore(%arg9 : memref<!tpu.dma_semaphore, #tpu.memory_space<semaphore_mem>>) src(%dma_wait3A_293 : memref<9216x16xf32, #tpu.memory_space<hbm>>) dst(%dma_wait3A_287 : memref<256x16xf32, #tpu.memory_space<vmem>>)
      %add3A_294 = arith.constant 2560 : i32
      %add3A_295 = arith.addi %rem3A_50, %add3A_294 : i32
      %dma_wait3A_296 = arith.constant 2560 : i32
      %dma_wait3A_297 = arith.constant 0 : i32
      %dma_wait3A_298 = tpu.memref_slice %arg7[%dma_wait3A_296, %dma_wait3A_297] : memref<3072x16xf32, #tpu.memory_space<vmem>> -> memref<256x16xf32, #tpu.memory_space<vmem>>
      %dma_wait3A_299 = tpu.memref_slice %arg6[%add3A_295] : memref<9216xi32, #tpu.memory_space<vmem>> -> memref<256xi32, #tpu.memory_space<vmem>>
      %dma_wait3A_300 = arith.constant 0 : i32
      %dma_wait3A_301 = tpu.memref_slice %arg2[%mul3A_48, %dma_wait3A_300] : memref<3538944x16xf32, #tpu.memory_space<hbm>> -> memref<9216x16xf32, #tpu.memory_space<hbm>>
      %dma_wait3A_302 = arith.constant 0 : i32
      %dma_wait3A_303 = arith.constant 0 : i32
      %dma_wait3A_304 = tpu.memref_slice %dma_wait3A_301[%dma_wait3A_302, %dma_wait3A_303] : memref<9216x16xf32, #tpu.memory_space<hbm>> -> memref<9216x16xf32, #tpu.memory_space<hbm>>
      tpu.wait_indirect_dma semaphore(%arg9 : memref<!tpu.dma_semaphore, #tpu.memory_space<semaphore_mem>>) src(%dma_wait3A_304 : memref<9216x16xf32, #tpu.memory_space<hbm>>) dst(%dma_wait3A_298 : memref<256x16xf32, #tpu.memory_space<vmem>>)
      %add3A_305 = arith.constant 2816 : i32
      %add3A_306 = arith.addi %rem3A_50, %add3A_305 : i32
      %dma_wait3A_307 = arith.constant 2816 : i32
      %dma_wait3A_308 = arith.constant 0 : i32
      %dma_wait3A_309 = tpu.memref_slice %arg7[%dma_wait3A_307, %dma_wait3A_308] : memref<3072x16xf32, #tpu.memory_space<vmem>> -> memref<256x16xf32, #tpu.memory_space<vmem>>
      %dma_wait3A_310 = tpu.memref_slice %arg6[%add3A_306] : memref<9216xi32, #tpu.memory_space<vmem>> -> memref<256xi32, #tpu.memory_space<vmem>>
      %dma_wait3A_311 = arith.constant 0 : i32
      %dma_wait3A_312 = tpu.memref_slice %arg2[%mul3A_48, %dma_wait3A_311] : memref<3538944x16xf32, #tpu.memory_space<hbm>> -> memref<9216x16xf32, #tpu.memory_space<hbm>>
      %dma_wait3A_313 = arith.constant 0 : i32
      %dma_wait3A_314 = arith.constant 0 : i32
      %dma_wait3A_315 = tpu.memref_slice %dma_wait3A_312[%dma_wait3A_313, %dma_wait3A_314] : memref<9216x16xf32, #tpu.memory_space<hbm>> -> memref<9216x16xf32, #tpu.memory_space<hbm>>
      tpu.wait_indirect_dma semaphore(%arg9 : memref<!tpu.dma_semaphore, #tpu.memory_space<semaphore_mem>>) src(%dma_wait3A_315 : memref<9216x16xf32, #tpu.memory_space<hbm>>) dst(%dma_wait3A_309 : memref<256x16xf32, #tpu.memory_space<vmem>>)
      %dma_start3A_316 = arith.constant 0 : i32
      %dma_start3A_317 = tpu.memref_slice %arg4[%add3A_44, %dma_start3A_316] : memref<3538944x16xf32, #tpu.memory_space<hbm>> -> memref<3072x16xf32, #tpu.memory_space<hbm>>
      %dma_start3A_318 = arith.constant 0 : i32
      %dma_start3A_319 = tpu.memref_slice %arg4[%add3A_44, %dma_start3A_318] : memref<3538944x16xf32, #tpu.memory_space<hbm>> -> memref<3072x16xf32, #tpu.memory_space<hbm>>
      tpu.enqueue_dma source(%arg7 : memref<3072x16xf32, #tpu.memory_space<vmem>>) target(%dma_start3A_319 : memref<3072x16xf32, #tpu.memory_space<hbm>>) target_semaphore(%arg10 : memref<!tpu.dma_semaphore, #tpu.memory_space<semaphore_mem>>)
      %mul3A_320 = arith.constant 2 : i32
      %mul3A_321 = arith.muli %scan3A_37, %mul3A_320 : i32
      %add3A_322 = arith.constant 1 : i32
      %add3A_323 = arith.addi %mul3A_321, %add3A_322 : i32
      %mul3A_324 = arith.constant 3072 : i32
      %mul3A_325 = arith.muli %add3A_323, %mul3A_324 : i32
      %add3A_326 = arith.addi %mul3A_2, %mul3A_325 : i32
      %div3A_327 = arith.constant 9216 : i32
      %div3A_328 = arith.divsi %add3A_326, %div3A_327 : i32
      %mul3A_329 = arith.constant 9216 : i32
      %mul3A_330 = arith.muli %div3A_328, %mul3A_329 : i32
      %rem3A_331 = arith.constant 9216 : i32
      %rem3A_332 = arith.remsi %add3A_326, %rem3A_331 : i32
      %ge3A_333 = arith.constant 2 : i32
      %ge3A_334 = arith.cmpi sge, %add3A_323, %ge3A_333 : i32
      %convert_element_type3A_335 = arith.extui %ge3A_334 : i1 to i32
      %cond3A_336 = arith.constant 0 : i32
      %cond3A_337 = arith.cmpi ne, %convert_element_type3A_335, %cond3A_336 : i32
      scf.if %cond3A_337 {
        %dma_wait3A_606 = arith.constant 0 : i32
        %dma_wait3A_607 = tpu.memref_slice %arg4[%add3A_326, %dma_wait3A_606] : memref<3538944x16xf32, #tpu.memory_space<hbm>> -> memref<3072x16xf32, #tpu.memory_space<hbm>>
        %dma_wait3A_608 = arith.constant 0 : i32
        %dma_wait3A_609 = tpu.memref_slice %arg4[%add3A_326, %dma_wait3A_608] : memref<3538944x16xf32, #tpu.memory_space<hbm>> -> memref<3072x16xf32, #tpu.memory_space<hbm>>
        tpu.wait_dma2 semaphore(%arg11 : memref<!tpu.dma_semaphore, #tpu.memory_space<semaphore_mem>>) src(%arg8 : memref<3072x16xf32, #tpu.memory_space<vmem>>) dst(%dma_wait3A_609 : memref<3072x16xf32, #tpu.memory_space<hbm>>)
      } else {
      }
      %add3A_338 = arith.constant 0 : i32
      %add3A_339 = arith.addi %rem3A_332, %add3A_338 : i32
      %dma_start3A_340 = arith.constant 0 : i32
      %dma_start3A_341 = arith.constant 0 : i32
      %dma_start3A_342 = tpu.memref_slice %arg8[%dma_start3A_340, %dma_start3A_341] : memref<3072x16xf32, #tpu.memory_space<vmem>> -> memref<256x16xf32, #tpu.memory_space<vmem>>
      %dma_start3A_343 = tpu.memref_slice %arg6[%add3A_339] : memref<9216xi32, #tpu.memory_space<vmem>> -> memref<256xi32, #tpu.memory_space<vmem>>
      %dma_start3A_344 = arith.constant 0 : i32
      %dma_start3A_345 = tpu.memref_slice %arg2[%mul3A_330, %dma_start3A_344] : memref<3538944x16xf32, #tpu.memory_space<hbm>> -> memref<9216x16xf32, #tpu.memory_space<hbm>>
      %dma_start3A_346 = arith.constant 0 : i32
      %dma_start3A_347 = arith.constant 0 : i32
      %dma_start3A_348 = tpu.memref_slice %dma_start3A_345[%dma_start3A_346, %dma_start3A_347] : memref<9216x16xf32, #tpu.memory_space<hbm>> -> memref<9216x16xf32, #tpu.memory_space<hbm>>
      tpu.enqueue_indirect_dma source(%dma_start3A_348 : memref<9216x16xf32, #tpu.memory_space<hbm>>) target(%dma_start3A_342 : memref<256x16xf32, #tpu.memory_space<vmem>>) offsets(%dma_start3A_343 : memref<256xi32, #tpu.memory_space<vmem>>) semaphore(%arg9 : memref<!tpu.dma_semaphore, #tpu.memory_space<semaphore_mem>>)
      %add3A_349 = arith.constant 256 : i32
      %add3A_350 = arith.addi %rem3A_332, %add3A_349 : i32
      %dma_start3A_351 = arith.constant 256 : i32
      %dma_start3A_352 = arith.constant 0 : i32
      %dma_start3A_353 = tpu.memref_slice %arg8[%dma_start3A_351, %dma_start3A_352] : memref<3072x16xf32, #tpu.memory_space<vmem>> -> memref<256x16xf32, #tpu.memory_space<vmem>>
      %dma_start3A_354 = tpu.memref_slice %arg6[%add3A_350] : memref<9216xi32, #tpu.memory_space<vmem>> -> memref<256xi32, #tpu.memory_space<vmem>>
      %dma_start3A_355 = arith.constant 0 : i32
      %dma_start3A_356 = tpu.memref_slice %arg2[%mul3A_330, %dma_start3A_355] : memref<3538944x16xf32, #tpu.memory_space<hbm>> -> memref<9216x16xf32, #tpu.memory_space<hbm>>
      %dma_start3A_357 = arith.constant 0 : i32
      %dma_start3A_358 = arith.constant 0 : i32
      %dma_start3A_359 = tpu.memref_slice %dma_start3A_356[%dma_start3A_357, %dma_start3A_358] : memref<9216x16xf32, #tpu.memory_space<hbm>> -> memref<9216x16xf32, #tpu.memory_space<hbm>>
      tpu.enqueue_indirect_dma source(%dma_start3A_359 : memref<9216x16xf32, #tpu.memory_space<hbm>>) target(%dma_start3A_353 : memref<256x16xf32, #tpu.memory_space<vmem>>) offsets(%dma_start3A_354 : memref<256xi32, #tpu.memory_space<vmem>>) semaphore(%arg9 : memref<!tpu.dma_semaphore, #tpu.memory_space<semaphore_mem>>)
      %add3A_360 = arith.constant 512 : i32
      %add3A_361 = arith.addi %rem3A_332, %add3A_360 : i32
      %dma_start3A_362 = arith.constant 512 : i32
      %dma_start3A_363 = arith.constant 0 : i32
      %dma_start3A_364 = tpu.memref_slice %arg8[%dma_start3A_362, %dma_start3A_363] : memref<3072x16xf32, #tpu.memory_space<vmem>> -> memref<256x16xf32, #tpu.memory_space<vmem>>
      %dma_start3A_365 = tpu.memref_slice %arg6[%add3A_361] : memref<9216xi32, #tpu.memory_space<vmem>> -> memref<256xi32, #tpu.memory_space<vmem>>
      %dma_start3A_366 = arith.constant 0 : i32
      %dma_start3A_367 = tpu.memref_slice %arg2[%mul3A_330, %dma_start3A_366] : memref<3538944x16xf32, #tpu.memory_space<hbm>> -> memref<9216x16xf32, #tpu.memory_space<hbm>>
      %dma_start3A_368 = arith.constant 0 : i32
      %dma_start3A_369 = arith.constant 0 : i32
      %dma_start3A_370 = tpu.memref_slice %dma_start3A_367[%dma_start3A_368, %dma_start3A_369] : memref<9216x16xf32, #tpu.memory_space<hbm>> -> memref<9216x16xf32, #tpu.memory_space<hbm>>
      tpu.enqueue_indirect_dma source(%dma_start3A_370 : memref<9216x16xf32, #tpu.memory_space<hbm>>) target(%dma_start3A_364 : memref<256x16xf32, #tpu.memory_space<vmem>>) offsets(%dma_start3A_365 : memref<256xi32, #tpu.memory_space<vmem>>) semaphore(%arg9 : memref<!tpu.dma_semaphore, #tpu.memory_space<semaphore_mem>>)
      %add3A_371 = arith.constant 768 : i32
      %add3A_372 = arith.addi %rem3A_332, %add3A_371 : i32
      %dma_start3A_373 = arith.constant 768 : i32
      %dma_start3A_374 = arith.constant 0 : i32
      %dma_start3A_375 = tpu.memref_slice %arg8[%dma_start3A_373, %dma_start3A_374] : memref<3072x16xf32, #tpu.memory_space<vmem>> -> memref<256x16xf32, #tpu.memory_space<vmem>>
      %dma_start3A_376 = tpu.memref_slice %arg6[%add3A_372] : memref<9216xi32, #tpu.memory_space<vmem>> -> memref<256xi32, #tpu.memory_space<vmem>>
      %dma_start3A_377 = arith.constant 0 : i32
      %dma_start3A_378 = tpu.memref_slice %arg2[%mul3A_330, %dma_start3A_377] : memref<3538944x16xf32, #tpu.memory_space<hbm>> -> memref<9216x16xf32, #tpu.memory_space<hbm>>
      %dma_start3A_379 = arith.constant 0 : i32
      %dma_start3A_380 = arith.constant 0 : i32
      %dma_start3A_381 = tpu.memref_slice %dma_start3A_378[%dma_start3A_379, %dma_start3A_380] : memref<9216x16xf32, #tpu.memory_space<hbm>> -> memref<9216x16xf32, #tpu.memory_space<hbm>>
      tpu.enqueue_indirect_dma source(%dma_start3A_381 : memref<9216x16xf32, #tpu.memory_space<hbm>>) target(%dma_start3A_375 : memref<256x16xf32, #tpu.memory_space<vmem>>) offsets(%dma_start3A_376 : memref<256xi32, #tpu.memory_space<vmem>>) semaphore(%arg9 : memref<!tpu.dma_semaphore, #tpu.memory_space<semaphore_mem>>)
      %add3A_382 = arith.constant 1024 : i32
      %add3A_383 = arith.addi %rem3A_332, %add3A_382 : i32
      %dma_start3A_384 = arith.constant 1024 : i32
      %dma_start3A_385 = arith.constant 0 : i32
      %dma_start3A_386 = tpu.memref_slice %arg8[%dma_start3A_384, %dma_start3A_385] : memref<3072x16xf32, #tpu.memory_space<vmem>> -> memref<256x16xf32, #tpu.memory_space<vmem>>
      %dma_start3A_387 = tpu.memref_slice %arg6[%add3A_383] : memref<9216xi32, #tpu.memory_space<vmem>> -> memref<256xi32, #tpu.memory_space<vmem>>
      %dma_start3A_388 = arith.constant 0 : i32
      %dma_start3A_389 = tpu.memref_slice %arg2[%mul3A_330, %dma_start3A_388] : memref<3538944x16xf32, #tpu.memory_space<hbm>> -> memref<9216x16xf32, #tpu.memory_space<hbm>>
      %dma_start3A_390 = arith.constant 0 : i32
      %dma_start3A_391 = arith.constant 0 : i32
      %dma_start3A_392 = tpu.memref_slice %dma_start3A_389[%dma_start3A_390, %dma_start3A_391] : memref<9216x16xf32, #tpu.memory_space<hbm>> -> memref<9216x16xf32, #tpu.memory_space<hbm>>
      tpu.enqueue_indirect_dma source(%dma_start3A_392 : memref<9216x16xf32, #tpu.memory_space<hbm>>) target(%dma_start3A_386 : memref<256x16xf32, #tpu.memory_space<vmem>>) offsets(%dma_start3A_387 : memref<256xi32, #tpu.memory_space<vmem>>) semaphore(%arg9 : memref<!tpu.dma_semaphore, #tpu.memory_space<semaphore_mem>>)
      %add3A_393 = arith.constant 1280 : i32
      %add3A_394 = arith.addi %rem3A_332, %add3A_393 : i32
      %dma_start3A_395 = arith.constant 1280 : i32
      %dma_start3A_396 = arith.constant 0 : i32
      %dma_start3A_397 = tpu.memref_slice %arg8[%dma_start3A_395, %dma_start3A_396] : memref<3072x16xf32, #tpu.memory_space<vmem>> -> memref<256x16xf32, #tpu.memory_space<vmem>>
      %dma_start3A_398 = tpu.memref_slice %arg6[%add3A_394] : memref<9216xi32, #tpu.memory_space<vmem>> -> memref<256xi32, #tpu.memory_space<vmem>>
      %dma_start3A_399 = arith.constant 0 : i32
      %dma_start3A_400 = tpu.memref_slice %arg2[%mul3A_330, %dma_start3A_399] : memref<3538944x16xf32, #tpu.memory_space<hbm>> -> memref<9216x16xf32, #tpu.memory_space<hbm>>
      %dma_start3A_401 = arith.constant 0 : i32
      %dma_start3A_402 = arith.constant 0 : i32
      %dma_start3A_403 = tpu.memref_slice %dma_start3A_400[%dma_start3A_401, %dma_start3A_402] : memref<9216x16xf32, #tpu.memory_space<hbm>> -> memref<9216x16xf32, #tpu.memory_space<hbm>>
      tpu.enqueue_indirect_dma source(%dma_start3A_403 : memref<9216x16xf32, #tpu.memory_space<hbm>>) target(%dma_start3A_397 : memref<256x16xf32, #tpu.memory_space<vmem>>) offsets(%dma_start3A_398 : memref<256xi32, #tpu.memory_space<vmem>>) semaphore(%arg9 : memref<!tpu.dma_semaphore, #tpu.memory_space<semaphore_mem>>)
      %add3A_404 = arith.constant 1536 : i32
      %add3A_405 = arith.addi %rem3A_332, %add3A_404 : i32
      %dma_start3A_406 = arith.constant 1536 : i32
      %dma_start3A_407 = arith.constant 0 : i32
      %dma_start3A_408 = tpu.memref_slice %arg8[%dma_start3A_406, %dma_start3A_407] : memref<3072x16xf32, #tpu.memory_space<vmem>> -> memref<256x16xf32, #tpu.memory_space<vmem>>
      %dma_start3A_409 = tpu.memref_slice %arg6[%add3A_405] : memref<9216xi32, #tpu.memory_space<vmem>> -> memref<256xi32, #tpu.memory_space<vmem>>
      %dma_start3A_410 = arith.constant 0 : i32
      %dma_start3A_411 = tpu.memref_slice %arg2[%mul3A_330, %dma_start3A_410] : memref<3538944x16xf32, #tpu.memory_space<hbm>> -> memref<9216x16xf32, #tpu.memory_space<hbm>>
      %dma_start3A_412 = arith.constant 0 : i32
      %dma_start3A_413 = arith.constant 0 : i32
      %dma_start3A_414 = tpu.memref_slice %dma_start3A_411[%dma_start3A_412, %dma_start3A_413] : memref<9216x16xf32, #tpu.memory_space<hbm>> -> memref<9216x16xf32, #tpu.memory_space<hbm>>
      tpu.enqueue_indirect_dma source(%dma_start3A_414 : memref<9216x16xf32, #tpu.memory_space<hbm>>) target(%dma_start3A_408 : memref<256x16xf32, #tpu.memory_space<vmem>>) offsets(%dma_start3A_409 : memref<256xi32, #tpu.memory_space<vmem>>) semaphore(%arg9 : memref<!tpu.dma_semaphore, #tpu.memory_space<semaphore_mem>>)
      %add3A_415 = arith.constant 1792 : i32
      %add3A_416 = arith.addi %rem3A_332, %add3A_415 : i32
      %dma_start3A_417 = arith.constant 1792 : i32
      %dma_start3A_418 = arith.constant 0 : i32
      %dma_start3A_419 = tpu.memref_slice %arg8[%dma_start3A_417, %dma_start3A_418] : memref<3072x16xf32, #tpu.memory_space<vmem>> -> memref<256x16xf32, #tpu.memory_space<vmem>>
      %dma_start3A_420 = tpu.memref_slice %arg6[%add3A_416] : memref<9216xi32, #tpu.memory_space<vmem>> -> memref<256xi32, #tpu.memory_space<vmem>>
      %dma_start3A_421 = arith.constant 0 : i32
      %dma_start3A_422 = tpu.memref_slice %arg2[%mul3A_330, %dma_start3A_421] : memref<3538944x16xf32, #tpu.memory_space<hbm>> -> memref<9216x16xf32, #tpu.memory_space<hbm>>
      %dma_start3A_423 = arith.constant 0 : i32
      %dma_start3A_424 = arith.constant 0 : i32
      %dma_start3A_425 = tpu.memref_slice %dma_start3A_422[%dma_start3A_423, %dma_start3A_424] : memref<9216x16xf32, #tpu.memory_space<hbm>> -> memref<9216x16xf32, #tpu.memory_space<hbm>>
      tpu.enqueue_indirect_dma source(%dma_start3A_425 : memref<9216x16xf32, #tpu.memory_space<hbm>>) target(%dma_start3A_419 : memref<256x16xf32, #tpu.memory_space<vmem>>) offsets(%dma_start3A_420 : memref<256xi32, #tpu.memory_space<vmem>>) semaphore(%arg9 : memref<!tpu.dma_semaphore, #tpu.memory_space<semaphore_mem>>)
      %add3A_426 = arith.constant 2048 : i32
      %add3A_427 = arith.addi %rem3A_332, %add3A_426 : i32
      %dma_start3A_428 = arith.constant 2048 : i32
      %dma_start3A_429 = arith.constant 0 : i32
      %dma_start3A_430 = tpu.memref_slice %arg8[%dma_start3A_428, %dma_start3A_429] : memref<3072x16xf32, #tpu.memory_space<vmem>> -> memref<256x16xf32, #tpu.memory_space<vmem>>
      %dma_start3A_431 = tpu.memref_slice %arg6[%add3A_427] : memref<9216xi32, #tpu.memory_space<vmem>> -> memref<256xi32, #tpu.memory_space<vmem>>
      %dma_start3A_432 = arith.constant 0 : i32
      %dma_start3A_433 = tpu.memref_slice %arg2[%mul3A_330, %dma_start3A_432] : memref<3538944x16xf32, #tpu.memory_space<hbm>> -> memref<9216x16xf32, #tpu.memory_space<hbm>>
      %dma_start3A_434 = arith.constant 0 : i32
      %dma_start3A_435 = arith.constant 0 : i32
      %dma_start3A_436 = tpu.memref_slice %dma_start3A_433[%dma_start3A_434, %dma_start3A_435] : memref<9216x16xf32, #tpu.memory_space<hbm>> -> memref<9216x16xf32, #tpu.memory_space<hbm>>
      tpu.enqueue_indirect_dma source(%dma_start3A_436 : memref<9216x16xf32, #tpu.memory_space<hbm>>) target(%dma_start3A_430 : memref<256x16xf32, #tpu.memory_space<vmem>>) offsets(%dma_start3A_431 : memref<256xi32, #tpu.memory_space<vmem>>) semaphore(%arg9 : memref<!tpu.dma_semaphore, #tpu.memory_space<semaphore_mem>>)
      %add3A_437 = arith.constant 2304 : i32
      %add3A_438 = arith.addi %rem3A_332, %add3A_437 : i32
      %dma_start3A_439 = arith.constant 2304 : i32
      %dma_start3A_440 = arith.constant 0 : i32
      %dma_start3A_441 = tpu.memref_slice %arg8[%dma_start3A_439, %dma_start3A_440] : memref<3072x16xf32, #tpu.memory_space<vmem>> -> memref<256x16xf32, #tpu.memory_space<vmem>>
      %dma_start3A_442 = tpu.memref_slice %arg6[%add3A_438] : memref<9216xi32, #tpu.memory_space<vmem>> -> memref<256xi32, #tpu.memory_space<vmem>>
      %dma_start3A_443 = arith.constant 0 : i32
      %dma_start3A_444 = tpu.memref_slice %arg2[%mul3A_330, %dma_start3A_443] : memref<3538944x16xf32, #tpu.memory_space<hbm>> -> memref<9216x16xf32, #tpu.memory_space<hbm>>
      %dma_start3A_445 = arith.constant 0 : i32
      %dma_start3A_446 = arith.constant 0 : i32
      %dma_start3A_447 = tpu.memref_slice %dma_start3A_444[%dma_start3A_445, %dma_start3A_446] : memref<9216x16xf32, #tpu.memory_space<hbm>> -> memref<9216x16xf32, #tpu.memory_space<hbm>>
      tpu.enqueue_indirect_dma source(%dma_start3A_447 : memref<9216x16xf32, #tpu.memory_space<hbm>>) target(%dma_start3A_441 : memref<256x16xf32, #tpu.memory_space<vmem>>) offsets(%dma_start3A_442 : memref<256xi32, #tpu.memory_space<vmem>>) semaphore(%arg9 : memref<!tpu.dma_semaphore, #tpu.memory_space<semaphore_mem>>)
      %add3A_448 = arith.constant 2560 : i32
      %add3A_449 = arith.addi %rem3A_332, %add3A_448 : i32
      %dma_start3A_450 = arith.constant 2560 : i32
      %dma_start3A_451 = arith.constant 0 : i32
      %dma_start3A_452 = tpu.memref_slice %arg8[%dma_start3A_450, %dma_start3A_451] : memref<3072x16xf32, #tpu.memory_space<vmem>> -> memref<256x16xf32, #tpu.memory_space<vmem>>
      %dma_start3A_453 = tpu.memref_slice %arg6[%add3A_449] : memref<9216xi32, #tpu.memory_space<vmem>> -> memref<256xi32, #tpu.memory_space<vmem>>
      %dma_start3A_454 = arith.constant 0 : i32
      %dma_start3A_455 = tpu.memref_slice %arg2[%mul3A_330, %dma_start3A_454] : memref<3538944x16xf32, #tpu.memory_space<hbm>> -> memref<9216x16xf32, #tpu.memory_space<hbm>>
      %dma_start3A_456 = arith.constant 0 : i32
      %dma_start3A_457 = arith.constant 0 : i32
      %dma_start3A_458 = tpu.memref_slice %dma_start3A_455[%dma_start3A_456, %dma_start3A_457] : memref<9216x16xf32, #tpu.memory_space<hbm>> -> memref<9216x16xf32, #tpu.memory_space<hbm>>
      tpu.enqueue_indirect_dma source(%dma_start3A_458 : memref<9216x16xf32, #tpu.memory_space<hbm>>) target(%dma_start3A_452 : memref<256x16xf32, #tpu.memory_space<vmem>>) offsets(%dma_start3A_453 : memref<256xi32, #tpu.memory_space<vmem>>) semaphore(%arg9 : memref<!tpu.dma_semaphore, #tpu.memory_space<semaphore_mem>>)
      %add3A_459 = arith.constant 2816 : i32
      %add3A_460 = arith.addi %rem3A_332, %add3A_459 : i32
      %dma_start3A_461 = arith.constant 2816 : i32
      %dma_start3A_462 = arith.constant 0 : i32
      %dma_start3A_463 = tpu.memref_slice %arg8[%dma_start3A_461, %dma_start3A_462] : memref<3072x16xf32, #tpu.memory_space<vmem>> -> memref<256x16xf32, #tpu.memory_space<vmem>>
      %dma_start3A_464 = tpu.memref_slice %arg6[%add3A_460] : memref<9216xi32, #tpu.memory_space<vmem>> -> memref<256xi32, #tpu.memory_space<vmem>>
      %dma_start3A_465 = arith.constant 0 : i32
      %dma_start3A_466 = tpu.memref_slice %arg2[%mul3A_330, %dma_start3A_465] : memref<3538944x16xf32, #tpu.memory_space<hbm>> -> memref<9216x16xf32, #tpu.memory_space<hbm>>
      %dma_start3A_467 = arith.constant 0 : i32
      %dma_start3A_468 = arith.constant 0 : i32
      %dma_start3A_469 = tpu.memref_slice %dma_start3A_466[%dma_start3A_467, %dma_start3A_468] : memref<9216x16xf32, #tpu.memory_space<hbm>> -> memref<9216x16xf32, #tpu.memory_space<hbm>>
      tpu.enqueue_indirect_dma source(%dma_start3A_469 : memref<9216x16xf32, #tpu.memory_space<hbm>>) target(%dma_start3A_463 : memref<256x16xf32, #tpu.memory_space<vmem>>) offsets(%dma_start3A_464 : memref<256xi32, #tpu.memory_space<vmem>>) semaphore(%arg9 : memref<!tpu.dma_semaphore, #tpu.memory_space<semaphore_mem>>)
      %add3A_470 = arith.constant 0 : i32
      %add3A_471 = arith.addi %rem3A_332, %add3A_470 : i32
      %dma_wait3A_472 = arith.constant 0 : i32
      %dma_wait3A_473 = arith.constant 0 : i32
      %dma_wait3A_474 = tpu.memref_slice %arg8[%dma_wait3A_472, %dma_wait3A_473] : memref<3072x16xf32, #tpu.memory_space<vmem>> -> memref<256x16xf32, #tpu.memory_space<vmem>>
      %dma_wait3A_475 = tpu.memref_slice %arg6[%add3A_471] : memref<9216xi32, #tpu.memory_space<vmem>> -> memref<256xi32, #tpu.memory_space<vmem>>
      %dma_wait3A_476 = arith.constant 0 : i32
      %dma_wait3A_477 = tpu.memref_slice %arg2[%mul3A_330, %dma_wait3A_476] : memref<3538944x16xf32, #tpu.memory_space<hbm>> -> memref<9216x16xf32, #tpu.memory_space<hbm>>
      %dma_wait3A_478 = arith.constant 0 : i32
      %dma_wait3A_479 = arith.constant 0 : i32
      %dma_wait3A_480 = tpu.memref_slice %dma_wait3A_477[%dma_wait3A_478, %dma_wait3A_479] : memref<9216x16xf32, #tpu.memory_space<hbm>> -> memref<9216x16xf32, #tpu.memory_space<hbm>>
      tpu.wait_indirect_dma semaphore(%arg9 : memref<!tpu.dma_semaphore, #tpu.memory_space<semaphore_mem>>) src(%dma_wait3A_480 : memref<9216x16xf32, #tpu.memory_space<hbm>>) dst(%dma_wait3A_474 : memref<256x16xf32, #tpu.memory_space<vmem>>)
      %add3A_481 = arith.constant 256 : i32
      %add3A_482 = arith.addi %rem3A_332, %add3A_481 : i32
      %dma_wait3A_483 = arith.constant 256 : i32
      %dma_wait3A_484 = arith.constant 0 : i32
      %dma_wait3A_485 = tpu.memref_slice %arg8[%dma_wait3A_483, %dma_wait3A_484] : memref<3072x16xf32, #tpu.memory_space<vmem>> -> memref<256x16xf32, #tpu.memory_space<vmem>>
      %dma_wait3A_486 = tpu.memref_slice %arg6[%add3A_482] : memref<9216xi32, #tpu.memory_space<vmem>> -> memref<256xi32, #tpu.memory_space<vmem>>
      %dma_wait3A_487 = arith.constant 0 : i32
      %dma_wait3A_488 = tpu.memref_slice %arg2[%mul3A_330, %dma_wait3A_487] : memref<3538944x16xf32, #tpu.memory_space<hbm>> -> memref<9216x16xf32, #tpu.memory_space<hbm>>
      %dma_wait3A_489 = arith.constant 0 : i32
      %dma_wait3A_490 = arith.constant 0 : i32
      %dma_wait3A_491 = tpu.memref_slice %dma_wait3A_488[%dma_wait3A_489, %dma_wait3A_490] : memref<9216x16xf32, #tpu.memory_space<hbm>> -> memref<9216x16xf32, #tpu.memory_space<hbm>>
      tpu.wait_indirect_dma semaphore(%arg9 : memref<!tpu.dma_semaphore, #tpu.memory_space<semaphore_mem>>) src(%dma_wait3A_491 : memref<9216x16xf32, #tpu.memory_space<hbm>>) dst(%dma_wait3A_485 : memref<256x16xf32, #tpu.memory_space<vmem>>)
      %add3A_492 = arith.constant 512 : i32
      %add3A_493 = arith.addi %rem3A_332, %add3A_492 : i32
      %dma_wait3A_494 = arith.constant 512 : i32
      %dma_wait3A_495 = arith.constant 0 : i32
      %dma_wait3A_496 = tpu.memref_slice %arg8[%dma_wait3A_494, %dma_wait3A_495] : memref<3072x16xf32, #tpu.memory_space<vmem>> -> memref<256x16xf32, #tpu.memory_space<vmem>>
      %dma_wait3A_497 = tpu.memref_slice %arg6[%add3A_493] : memref<9216xi32, #tpu.memory_space<vmem>> -> memref<256xi32, #tpu.memory_space<vmem>>
      %dma_wait3A_498 = arith.constant 0 : i32
      %dma_wait3A_499 = tpu.memref_slice %arg2[%mul3A_330, %dma_wait3A_498] : memref<3538944x16xf32, #tpu.memory_space<hbm>> -> memref<9216x16xf32, #tpu.memory_space<hbm>>
      %dma_wait3A_500 = arith.constant 0 : i32
      %dma_wait3A_501 = arith.constant 0 : i32
      %dma_wait3A_502 = tpu.memref_slice %dma_wait3A_499[%dma_wait3A_500, %dma_wait3A_501] : memref<9216x16xf32, #tpu.memory_space<hbm>> -> memref<9216x16xf32, #tpu.memory_space<hbm>>
      tpu.wait_indirect_dma semaphore(%arg9 : memref<!tpu.dma_semaphore, #tpu.memory_space<semaphore_mem>>) src(%dma_wait3A_502 : memref<9216x16xf32, #tpu.memory_space<hbm>>) dst(%dma_wait3A_496 : memref<256x16xf32, #tpu.memory_space<vmem>>)
      %add3A_503 = arith.constant 768 : i32
      %add3A_504 = arith.addi %rem3A_332, %add3A_503 : i32
      %dma_wait3A_505 = arith.constant 768 : i32
      %dma_wait3A_506 = arith.constant 0 : i32
      %dma_wait3A_507 = tpu.memref_slice %arg8[%dma_wait3A_505, %dma_wait3A_506] : memref<3072x16xf32, #tpu.memory_space<vmem>> -> memref<256x16xf32, #tpu.memory_space<vmem>>
      %dma_wait3A_508 = tpu.memref_slice %arg6[%add3A_504] : memref<9216xi32, #tpu.memory_space<vmem>> -> memref<256xi32, #tpu.memory_space<vmem>>
      %dma_wait3A_509 = arith.constant 0 : i32
      %dma_wait3A_510 = tpu.memref_slice %arg2[%mul3A_330, %dma_wait3A_509] : memref<3538944x16xf32, #tpu.memory_space<hbm>> -> memref<9216x16xf32, #tpu.memory_space<hbm>>
      %dma_wait3A_511 = arith.constant 0 : i32
      %dma_wait3A_512 = arith.constant 0 : i32
      %dma_wait3A_513 = tpu.memref_slice %dma_wait3A_510[%dma_wait3A_511, %dma_wait3A_512] : memref<9216x16xf32, #tpu.memory_space<hbm>> -> memref<9216x16xf32, #tpu.memory_space<hbm>>
      tpu.wait_indirect_dma semaphore(%arg9 : memref<!tpu.dma_semaphore, #tpu.memory_space<semaphore_mem>>) src(%dma_wait3A_513 : memref<9216x16xf32, #tpu.memory_space<hbm>>) dst(%dma_wait3A_507 : memref<256x16xf32, #tpu.memory_space<vmem>>)
      %add3A_514 = arith.constant 1024 : i32
      %add3A_515 = arith.addi %rem3A_332, %add3A_514 : i32
      %dma_wait3A_516 = arith.constant 1024 : i32
      %dma_wait3A_517 = arith.constant 0 : i32
      %dma_wait3A_518 = tpu.memref_slice %arg8[%dma_wait3A_516, %dma_wait3A_517] : memref<3072x16xf32, #tpu.memory_space<vmem>> -> memref<256x16xf32, #tpu.memory_space<vmem>>
      %dma_wait3A_519 = tpu.memref_slice %arg6[%add3A_515] : memref<9216xi32, #tpu.memory_space<vmem>> -> memref<256xi32, #tpu.memory_space<vmem>>
      %dma_wait3A_520 = arith.constant 0 : i32
      %dma_wait3A_521 = tpu.memref_slice %arg2[%mul3A_330, %dma_wait3A_520] : memref<3538944x16xf32, #tpu.memory_space<hbm>> -> memref<9216x16xf32, #tpu.memory_space<hbm>>
      %dma_wait3A_522 = arith.constant 0 : i32
      %dma_wait3A_523 = arith.constant 0 : i32
      %dma_wait3A_524 = tpu.memref_slice %dma_wait3A_521[%dma_wait3A_522, %dma_wait3A_523] : memref<9216x16xf32, #tpu.memory_space<hbm>> -> memref<9216x16xf32, #tpu.memory_space<hbm>>
      tpu.wait_indirect_dma semaphore(%arg9 : memref<!tpu.dma_semaphore, #tpu.memory_space<semaphore_mem>>) src(%dma_wait3A_524 : memref<9216x16xf32, #tpu.memory_space<hbm>>) dst(%dma_wait3A_518 : memref<256x16xf32, #tpu.memory_space<vmem>>)
      %add3A_525 = arith.constant 1280 : i32
      %add3A_526 = arith.addi %rem3A_332, %add3A_525 : i32
      %dma_wait3A_527 = arith.constant 1280 : i32
      %dma_wait3A_528 = arith.constant 0 : i32
      %dma_wait3A_529 = tpu.memref_slice %arg8[%dma_wait3A_527, %dma_wait3A_528] : memref<3072x16xf32, #tpu.memory_space<vmem>> -> memref<256x16xf32, #tpu.memory_space<vmem>>
      %dma_wait3A_530 = tpu.memref_slice %arg6[%add3A_526] : memref<9216xi32, #tpu.memory_space<vmem>> -> memref<256xi32, #tpu.memory_space<vmem>>
      %dma_wait3A_531 = arith.constant 0 : i32
      %dma_wait3A_532 = tpu.memref_slice %arg2[%mul3A_330, %dma_wait3A_531] : memref<3538944x16xf32, #tpu.memory_space<hbm>> -> memref<9216x16xf32, #tpu.memory_space<hbm>>
      %dma_wait3A_533 = arith.constant 0 : i32
      %dma_wait3A_534 = arith.constant 0 : i32
      %dma_wait3A_535 = tpu.memref_slice %dma_wait3A_532[%dma_wait3A_533, %dma_wait3A_534] : memref<9216x16xf32, #tpu.memory_space<hbm>> -> memref<9216x16xf32, #tpu.memory_space<hbm>>
      tpu.wait_indirect_dma semaphore(%arg9 : memref<!tpu.dma_semaphore, #tpu.memory_space<semaphore_mem>>) src(%dma_wait3A_535 : memref<9216x16xf32, #tpu.memory_space<hbm>>) dst(%dma_wait3A_529 : memref<256x16xf32, #tpu.memory_space<vmem>>)
      %add3A_536 = arith.constant 1536 : i32
      %add3A_537 = arith.addi %rem3A_332, %add3A_536 : i32
      %dma_wait3A_538 = arith.constant 1536 : i32
      %dma_wait3A_539 = arith.constant 0 : i32
      %dma_wait3A_540 = tpu.memref_slice %arg8[%dma_wait3A_538, %dma_wait3A_539] : memref<3072x16xf32, #tpu.memory_space<vmem>> -> memref<256x16xf32, #tpu.memory_space<vmem>>
      %dma_wait3A_541 = tpu.memref_slice %arg6[%add3A_537] : memref<9216xi32, #tpu.memory_space<vmem>> -> memref<256xi32, #tpu.memory_space<vmem>>
      %dma_wait3A_542 = arith.constant 0 : i32
      %dma_wait3A_543 = tpu.memref_slice %arg2[%mul3A_330, %dma_wait3A_542] : memref<3538944x16xf32, #tpu.memory_space<hbm>> -> memref<9216x16xf32, #tpu.memory_space<hbm>>
      %dma_wait3A_544 = arith.constant 0 : i32
      %dma_wait3A_545 = arith.constant 0 : i32
      %dma_wait3A_546 = tpu.memref_slice %dma_wait3A_543[%dma_wait3A_544, %dma_wait3A_545] : memref<9216x16xf32, #tpu.memory_space<hbm>> -> memref<9216x16xf32, #tpu.memory_space<hbm>>
      tpu.wait_indirect_dma semaphore(%arg9 : memref<!tpu.dma_semaphore, #tpu.memory_space<semaphore_mem>>) src(%dma_wait3A_546 : memref<9216x16xf32, #tpu.memory_space<hbm>>) dst(%dma_wait3A_540 : memref<256x16xf32, #tpu.memory_space<vmem>>)
      %add3A_547 = arith.constant 1792 : i32
      %add3A_548 = arith.addi %rem3A_332, %add3A_547 : i32
      %dma_wait3A_549 = arith.constant 1792 : i32
      %dma_wait3A_550 = arith.constant 0 : i32
      %dma_wait3A_551 = tpu.memref_slice %arg8[%dma_wait3A_549, %dma_wait3A_550] : memref<3072x16xf32, #tpu.memory_space<vmem>> -> memref<256x16xf32, #tpu.memory_space<vmem>>
      %dma_wait3A_552 = tpu.memref_slice %arg6[%add3A_548] : memref<9216xi32, #tpu.memory_space<vmem>> -> memref<256xi32, #tpu.memory_space<vmem>>
      %dma_wait3A_553 = arith.constant 0 : i32
      %dma_wait3A_554 = tpu.memref_slice %arg2[%mul3A_330, %dma_wait3A_553] : memref<3538944x16xf32, #tpu.memory_space<hbm>> -> memref<9216x16xf32, #tpu.memory_space<hbm>>
      %dma_wait3A_555 = arith.constant 0 : i32
      %dma_wait3A_556 = arith.constant 0 : i32
      %dma_wait3A_557 = tpu.memref_slice %dma_wait3A_554[%dma_wait3A_555, %dma_wait3A_556] : memref<9216x16xf32, #tpu.memory_space<hbm>> -> memref<9216x16xf32, #tpu.memory_space<hbm>>
      tpu.wait_indirect_dma semaphore(%arg9 : memref<!tpu.dma_semaphore, #tpu.memory_space<semaphore_mem>>) src(%dma_wait3A_557 : memref<9216x16xf32, #tpu.memory_space<hbm>>) dst(%dma_wait3A_551 : memref<256x16xf32, #tpu.memory_space<vmem>>)
      %add3A_558 = arith.constant 2048 : i32
      %add3A_559 = arith.addi %rem3A_332, %add3A_558 : i32
      %dma_wait3A_560 = arith.constant 2048 : i32
      %dma_wait3A_561 = arith.constant 0 : i32
      %dma_wait3A_562 = tpu.memref_slice %arg8[%dma_wait3A_560, %dma_wait3A_561] : memref<3072x16xf32, #tpu.memory_space<vmem>> -> memref<256x16xf32, #tpu.memory_space<vmem>>
      %dma_wait3A_563 = tpu.memref_slice %arg6[%add3A_559] : memref<9216xi32, #tpu.memory_space<vmem>> -> memref<256xi32, #tpu.memory_space<vmem>>
      %dma_wait3A_564 = arith.constant 0 : i32
      %dma_wait3A_565 = tpu.memref_slice %arg2[%mul3A_330, %dma_wait3A_564] : memref<3538944x16xf32, #tpu.memory_space<hbm>> -> memref<9216x16xf32, #tpu.memory_space<hbm>>
      %dma_wait3A_566 = arith.constant 0 : i32
      %dma_wait3A_567 = arith.constant 0 : i32
      %dma_wait3A_568 = tpu.memref_slice %dma_wait3A_565[%dma_wait3A_566, %dma_wait3A_567] : memref<9216x16xf32, #tpu.memory_space<hbm>> -> memref<9216x16xf32, #tpu.memory_space<hbm>>
      tpu.wait_indirect_dma semaphore(%arg9 : memref<!tpu.dma_semaphore, #tpu.memory_space<semaphore_mem>>) src(%dma_wait3A_568 : memref<9216x16xf32, #tpu.memory_space<hbm>>) dst(%dma_wait3A_562 : memref<256x16xf32, #tpu.memory_space<vmem>>)
      %add3A_569 = arith.constant 2304 : i32
      %add3A_570 = arith.addi %rem3A_332, %add3A_569 : i32
      %dma_wait3A_571 = arith.constant 2304 : i32
      %dma_wait3A_572 = arith.constant 0 : i32
      %dma_wait3A_573 = tpu.memref_slice %arg8[%dma_wait3A_571, %dma_wait3A_572] : memref<3072x16xf32, #tpu.memory_space<vmem>> -> memref<256x16xf32, #tpu.memory_space<vmem>>
      %dma_wait3A_574 = tpu.memref_slice %arg6[%add3A_570] : memref<9216xi32, #tpu.memory_space<vmem>> -> memref<256xi32, #tpu.memory_space<vmem>>
      %dma_wait3A_575 = arith.constant 0 : i32
      %dma_wait3A_576 = tpu.memref_slice %arg2[%mul3A_330, %dma_wait3A_575] : memref<3538944x16xf32, #tpu.memory_space<hbm>> -> memref<9216x16xf32, #tpu.memory_space<hbm>>
      %dma_wait3A_577 = arith.constant 0 : i32
      %dma_wait3A_578 = arith.constant 0 : i32
      %dma_wait3A_579 = tpu.memref_slice %dma_wait3A_576[%dma_wait3A_577, %dma_wait3A_578] : memref<9216x16xf32, #tpu.memory_space<hbm>> -> memref<9216x16xf32, #tpu.memory_space<hbm>>
      tpu.wait_indirect_dma semaphore(%arg9 : memref<!tpu.dma_semaphore, #tpu.memory_space<semaphore_mem>>) src(%dma_wait3A_579 : memref<9216x16xf32, #tpu.memory_space<hbm>>) dst(%dma_wait3A_573 : memref<256x16xf32, #tpu.memory_space<vmem>>)
      %add3A_580 = arith.constant 2560 : i32
      %add3A_581 = arith.addi %rem3A_332, %add3A_580 : i32
      %dma_wait3A_582 = arith.constant 2560 : i32
      %dma_wait3A_583 = arith.constant 0 : i32
      %dma_wait3A_584 = tpu.memref_slice %arg8[%dma_wait3A_582, %dma_wait3A_583] : memref<3072x16xf32, #tpu.memory_space<vmem>> -> memref<256x16xf32, #tpu.memory_space<vmem>>
      %dma_wait3A_585 = tpu.memref_slice %arg6[%add3A_581] : memref<9216xi32, #tpu.memory_space<vmem>> -> memref<256xi32, #tpu.memory_space<vmem>>
      %dma_wait3A_586 = arith.constant 0 : i32
      %dma_wait3A_587 = tpu.memref_slice %arg2[%mul3A_330, %dma_wait3A_586] : memref<3538944x16xf32, #tpu.memory_space<hbm>> -> memref<9216x16xf32, #tpu.memory_space<hbm>>
      %dma_wait3A_588 = arith.constant 0 : i32
      %dma_wait3A_589 = arith.constant 0 : i32
      %dma_wait3A_590 = tpu.memref_slice %dma_wait3A_587[%dma_wait3A_588, %dma_wait3A_589] : memref<9216x16xf32, #tpu.memory_space<hbm>> -> memref<9216x16xf32, #tpu.memory_space<hbm>>
      tpu.wait_indirect_dma semaphore(%arg9 : memref<!tpu.dma_semaphore, #tpu.memory_space<semaphore_mem>>) src(%dma_wait3A_590 : memref<9216x16xf32, #tpu.memory_space<hbm>>) dst(%dma_wait3A_584 : memref<256x16xf32, #tpu.memory_space<vmem>>)
      %add3A_591 = arith.constant 2816 : i32
      %add3A_592 = arith.addi %rem3A_332, %add3A_591 : i32
      %dma_wait3A_593 = arith.constant 2816 : i32
      %dma_wait3A_594 = arith.constant 0 : i32
      %dma_wait3A_595 = tpu.memref_slice %arg8[%dma_wait3A_593, %dma_wait3A_594] : memref<3072x16xf32, #tpu.memory_space<vmem>> -> memref<256x16xf32, #tpu.memory_space<vmem>>
      %dma_wait3A_596 = tpu.memref_slice %arg6[%add3A_592] : memref<9216xi32, #tpu.memory_space<vmem>> -> memref<256xi32, #tpu.memory_space<vmem>>
      %dma_wait3A_597 = arith.constant 0 : i32
      %dma_wait3A_598 = tpu.memref_slice %arg2[%mul3A_330, %dma_wait3A_597] : memref<3538944x16xf32, #tpu.memory_space<hbm>> -> memref<9216x16xf32, #tpu.memory_space<hbm>>
      %dma_wait3A_599 = arith.constant 0 : i32
      %dma_wait3A_600 = arith.constant 0 : i32
      %dma_wait3A_601 = tpu.memref_slice %dma_wait3A_598[%dma_wait3A_599, %dma_wait3A_600] : memref<9216x16xf32, #tpu.memory_space<hbm>> -> memref<9216x16xf32, #tpu.memory_space<hbm>>
      tpu.wait_indirect_dma semaphore(%arg9 : memref<!tpu.dma_semaphore, #tpu.memory_space<semaphore_mem>>) src(%dma_wait3A_601 : memref<9216x16xf32, #tpu.memory_space<hbm>>) dst(%dma_wait3A_595 : memref<256x16xf32, #tpu.memory_space<vmem>>)
      %dma_start3A_602 = arith.constant 0 : i32
      %dma_start3A_603 = tpu.memref_slice %arg4[%add3A_326, %dma_start3A_602] : memref<3538944x16xf32, #tpu.memory_space<hbm>> -> memref<3072x16xf32, #tpu.memory_space<hbm>>
      %dma_start3A_604 = arith.constant 0 : i32
      %dma_start3A_605 = tpu.memref_slice %arg4[%add3A_326, %dma_start3A_604] : memref<3538944x16xf32, #tpu.memory_space<hbm>> -> memref<3072x16xf32, #tpu.memory_space<hbm>>
      tpu.enqueue_dma source(%arg8 : memref<3072x16xf32, #tpu.memory_space<vmem>>) target(%dma_start3A_605 : memref<3072x16xf32, #tpu.memory_space<hbm>>) target_semaphore(%arg11 : memref<!tpu.dma_semaphore, #tpu.memory_space<semaphore_mem>>)
    }
    %scan3A_29 = arith.constant 18 : i32
    %dma_wait3A = arith.constant 0 : i32
    %dma_wait3A_30 = tpu.memref_slice %arg4[%mul3A_2, %dma_wait3A] : memref<3538944x16xf32, #tpu.memory_space<hbm>> -> memref<3072x16xf32, #tpu.memory_space<hbm>>
    %dma_wait3A_31 = arith.constant 0 : i32
    %dma_wait3A_32 = tpu.memref_slice %arg4[%mul3A_2, %dma_wait3A_31] : memref<3538944x16xf32, #tpu.memory_space<hbm>> -> memref<3072x16xf32, #tpu.memory_space<hbm>>
    tpu.wait_dma2 semaphore(%arg10 : memref<!tpu.dma_semaphore, #tpu.memory_space<semaphore_mem>>) src(%arg7 : memref<3072x16xf32, #tpu.memory_space<vmem>>) dst(%dma_wait3A_32 : memref<3072x16xf32, #tpu.memory_space<hbm>>)
    %dma_wait3A_33 = arith.constant 0 : i32
    %dma_wait3A_34 = tpu.memref_slice %arg4[%mul3A_2, %dma_wait3A_33] : memref<3538944x16xf32, #tpu.memory_space<hbm>> -> memref<3072x16xf32, #tpu.memory_space<hbm>>
    %dma_wait3A_35 = arith.constant 0 : i32
    %dma_wait3A_36 = tpu.memref_slice %arg4[%mul3A_2, %dma_wait3A_35] : memref<3538944x16xf32, #tpu.memory_space<hbm>> -> memref<3072x16xf32, #tpu.memory_space<hbm>>
    tpu.wait_dma2 semaphore(%arg11 : memref<!tpu.dma_semaphore, #tpu.memory_space<semaphore_mem>>) src(%arg8 : memref<3072x16xf32, #tpu.memory_space<vmem>>) dst(%dma_wait3A_36 : memref<3072x16xf32, #tpu.memory_space<hbm>>)
    return
  }
}

</mosaic_0001>

<sc_bundles>
// kernel: kernel.3.cloned.1.call-start
scs
__scs_entry_jumppad:
0x0: {  	(pc) =	sbr.rel $0x88, $3  }
0x1: {  	(tag) =	ssettag $0x0;
	lr =	simm.s32 $0x1  }
0x2: {  	[smem:$0x3F9F] =	sst lr;
	_ =	strace $0xD0000000  }
0x3: {  	_ = 	snop  }
0x4: {  	_ = 	snop  }
0x5: {  	_ = 	snop  }
0x6: {  	_ = 	snop  }
0x7: {  	_ = 	snop  }
__scs_overlays_trampoline_lowered:
0x8: {  	[smem:$0x3FAE] =	sst s0  }
0x9: {  	[smem:$0x3FAF] =	sst s1  }
0xa: {  	[smem:$0x3FB0] =	sst s2  }
0xb: {  	[smem:$0x3FB1] =	sst s3  }
0xc: {  	[smem:$0x3FB2] =	sst s4  }
0xd: {  	[smem:$0x3FB3] =	sst s5  }
0xe: {  	[smem:$0x3FB4] =	sst s6  }
0xf: {  	[smem:$0x3FB5] =	sst s7  }
0x10: {  	[smem:$0x3FB6] =	sst s8  }
0x11: {  	[smem:$0x3FB7] =	sst s9;
	s0 =	simm.s32 @!p0 $0x0  }
0x12: {  	s1 =	sld [smem:$0x3F9D];
	s0 =	simm.s32 @p0 $0x1  }
0x13: {  	[smem:$0x3FB8] =	sst s0;
	s0 =	simm.s32 @!p1 $0x0  }
0x14: {  	s2 =	sld [smem:$0x3F9C];
	s0 =	simm.s32 @p1 $0x1  }
0x15: {  	[smem:$0x3FB9] =	sst s0;
	s0 =	simm.s32 @!p2 $0x0  }
0x16: {  	s3 =	sld [smem:$0x3FDB];
	s0 =	simm.s32 @p2 $0x1  }
0x17: {  	s4 =	simm.s32 $0x1BF5;
	[smem:$0x3FBB] =	sst s0  }
0x18: {  	s0 =	sld [smem:$0x3F9E];
	_ =	swait.ge [sflag:s4], $0x0  }
0x19: {  	s7 =	sld [smem:$0x3F9F]  }
0x1a: {  	s8 =	sadd.s32 $0xFFFFE003, lr  }
0x1b: {  	s9 =	sadd.s32 $0xFFFFFEF7, lr;
	s5 =	simm.s32 $0xFFFFFFFF;
	p2 =	slt.u32 s8, $0xFFFFF086  }
0x1c: {  	p1 =	slt.u32 s9, $0xF7A;
	s5 =	simm.s32 @!p2 $0x0  }
0x1d: {  	s5 =	simm.s32 @p1 $0x1;
	p0 =	seq.s32 s7, s2  }
0x1e: {  	s7 =	smul.u32 @!p0 $0xF7A, s2;
	p2 =	seq.s32 @!p0 s5, $0x0  }
0x1f: {  	s9 =	smul.u32 $0xF7A, s1;
	s8 =	simm.s32 @!p0 $0x1BF5;
	p2 =	por !p2, p0  }
0x20: {  	[sflag:s8] =	ssyncset.s32 @!p0 $0xFFFFF086;
	s6 =	sadd.s32 @!p0 s3, s7;
	s7 =	simm.s32 @!p0 $0x108  }
0x21: {  	s3 =	sadd.s32 s3, s9;
	s6 =	sadd.s32 @!p0 $0x88, s6;
	s7 =	simm.s32 @p2 $0x1082  }
0x22: {  	[simem:s7], [sflag:s8] =	dma.local @!p0 [hbm:s6], $0xF7A  }
0x23: {  	s9 =	sor.u32 $0xD0000000, s2;
	s6 =	simm.s32 $0x108;
	_ =	swait.ge @!p0 [sflag:s8], $0x0  }
0x24: {  	s3 =	sadd.s32 $0x88, s3;
	s6 =	simm.s32 @!p1 $0x1082;
	[sflag:s4] =	ssyncset.s32 $0xFFFFF086  }
0x25: {  	[simem:s6], [sflag:s4] =	dma.local [hbm:s3], $0xF7A  }
0x26: {  	[smem:$0x3F9F] =	sst s1;
	(tag) =	ssettag s2;
	_ =	strace s9  }
0x27: {  	s1 =	sld [smem:$0x3FAF]  }
0x28: {  	s2 =	sld [smem:$0x3FB0]  }
0x29: {  	s4 =	sld [smem:$0x3FB2]  }
0x2a: {  	p0 =	seq.s32 s5, $0x0;
	s5 =	sld [smem:$0x3FB3]  }
0x2b: {  	s6 =	sld [smem:$0x3FB4]  }
0x2c: {  	s7 =	sld [smem:$0x3FB5]  }
0x2d: {  	s3 =	simm.s32 $0x108;
	s8 =	sld [smem:$0x3FB6]  }
0x2e: {  	s3 =	simm.s32 @!p0 $0x1082;
	s9 =	sld [smem:$0x3FB7]  }
0x2f: {  	lr =	sadd.s32 s0, s3;
	s0 =	sld [smem:$0x3FAE]  }
0x30: {  	s3 =	sld [smem:$0x3FB1]  }
0x31: {  	[smem:$0x3FBA] =	sst s10  }
0x32: {  	s10 =	sld [smem:$0x3FB8];
	_ =	sdelay $0x3  }
0x33: {  	p0 =	seq.s32 s10, $0x1;
	s10 =	sld [smem:$0x3FBA];
	_ =	sdelay $0x3  }
0x34: {  	[smem:$0x3FBA] =	sst s10  }
0x35: {  	s10 =	sld [smem:$0x3FB9];
	_ =	sdelay $0x3  }
0x36: {  	p1 =	seq.s32 s10, $0x1;
	s10 =	sld [smem:$0x3FBA];
	_ =	sdelay $0x3  }
0x37: {  	[smem:$0x3FBA] =	sst s10  }
0x38: {  	s10 =	sld [smem:$0x3FBB]  }
0x39: {  	_ = 	snop;
	(pc) =	sbr.ind lr, $3  }
0x3a: {  	_ = 	snop  }
0x3b: {  	_ = 	snop  }
0x3c: {  	p2 =	seq.s32 s10, $0x1;
	s10 =	sld [smem:$0x3FBA]  }
0x3d: {  	_ =	shalt  }
0x3e: {  	_ =	shalt  }
0x3f: {  	_ =	shalt  }
0x40: {  	_ =	shalt  }
0x41: {  	_ =	shalt  }
0x42: {  	_ =	shalt  }
0x43: {  	_ =	shalt  }
0x44: {  	_ =	shalt  }
0x45: {  	_ =	shalt  }
0x46: {  	_ =	shalt  }
0x47: {  	_ =	shalt  }
0x48: {  	_ =	shalt  }
0x49: {  	_ =	shalt  }
0x4a: {  	_ =	shalt  }
0x4b: {  	_ =	shalt  }
0x4c: {  	_ =	shalt  }
0x4d: {  	_ =	shalt  }
0x4e: {  	_ =	shalt  }
0x4f: {  	_ =	shalt  }
0x50: {  	_ =	shalt  }
0x51: {  	_ =	shalt  }
0x52: {  	_ =	shalt  }
0x53: {  	_ =	shalt  }
0x54: {  	_ =	shalt  }
0x55: {  	_ =	shalt  }
0x56: {  	_ =	shalt  }
0x57: {  	_ =	shalt  }
0x58: {  	_ =	shalt  }
0x59: {  	_ =	shalt  }
0x5a: {  	_ =	shalt  }
0x5b: {  	_ =	shalt  }
0x5c: {  	_ =	shalt  }
0x5d: {  	_ =	shalt  }
0x5e: {  	_ =	shalt  }
0x5f: {  	_ =	shalt  }
0x60: {  	_ =	shalt  }
0x61: {  	_ =	shalt  }
0x62: {  	_ =	shalt  }
0x63: {  	_ =	shalt  }
0x64: {  	_ =	shalt  }
0x65: {  	_ =	shalt  }
0x66: {  	_ =	shalt  }
0x67: {  	_ =	shalt  }
0x68: {  	_ =	shalt  }
0x69: {  	_ =	shalt  }
0x6a: {  	_ =	shalt  }
0x6b: {  	_ =	shalt  }
0x6c: {  	_ =	shalt  }
0x6d: {  	_ =	shalt  }
0x6e: {  	_ =	shalt  }
0x6f: {  	_ =	shalt  }
0x70: {  	_ =	shalt  }
0x71: {  	_ =	shalt  }
0x72: {  	_ =	shalt  }
0x73: {  	_ =	shalt  }
0x74: {  	_ =	shalt  }
0x75: {  	_ =	shalt  }
0x76: {  	_ =	shalt  }
0x77: {  	_ =	shalt  }
0x78: {  	_ =	shalt  }
0x79: {  	_ =	shalt  }
0x7a: {  	_ =	shalt  }
0x7b: {  	_ =	shalt  }
0x7c: {  	_ =	shalt  }
0x7d: {  	_ =	shalt  }
0x7e: {  	_ =	shalt  }
0x7f: {  	_ =	shalt  }
0x80: {  	_ =	shalt  }
0x81: {  	_ =	shalt  }
0x82: {  	_ =	shalt  }
0x83: {  	_ =	shalt  }
0x84: {  	_ =	shalt  }
0x85: {  	_ =	shalt  }
0x86: {  	_ =	shalt  }
0x87: {  	_ =	shalt  }
.Lfunc_end0:
.L_simem_size_0:
called_computation_lowered:
.L_overlay_start_0:
0x88: {  	s2 =	sld [smem:$0x3FD9]  }
0x89: {  	s3 =	sld [smem:$0x3FFE];
	_ =	sdelay $0x1  }
0x8a: {  	s1 =	srdreg.scid  }
0x8b: {  	s0 =	sand.u32 $0x1, s1  }
0x8c: {  	s17 =	sshll.u32 s0, $0xA;
	s2 =	sadd.s32 s3, s2  }
0x8d: {  	s2 =	sadd.s32 s2, s17  }
0x8e: {  	[smem:$0x3FC6] =	sst s2  }
0x8f: {  	_ = 	snop  }
0x90: {  	s2 =	sld [smem:$0x3FD0];
	(tm) =	ssettm $0x1  }
0x91: {  	s18 =	sld [smem:$0x3FFB];
	_ =	sdelay $0x3  }
0x92: {  	_ =	strace s18  }
0x93: {  	s3 =	sld [smem:$0x3FFC];
	_ =	sdelay $0x3  }
0x94: {  	_ =	strace s3  }
0x95: {  	s3 =	sld [smem:$0x3FFD];
	_ =	sdelay $0x3  }
0x96: {  	_ =	strace s3  }
0x97: {  	_ =	strace $0x8FFFFFFF  }
0x98: {  	s19 =	sld [smem:$0x3FDB];
	_ =	sdelay $0x1  }
0x99: {  	s4 =	simm.s32 $_scs_section_size  }
0x9a: {  	s5 =	simm.s32 $_size__tile_overlayer_lowered;
	s6 =	simm.s32 $_tile_overlayer_lowered  }
0x9b: {  	s22 =	simm.s32 $0x1BFF;
	s21 =	sshll.u32 s6, $0x1;
	s3 =	sadd.s32 s4, s19  }
0x9c: {  	s7 =	simm.s32 $0x0;
	s20 =	sshll.u32 s5, $0x1;
	s5 =	sadd.s32 s21, s3  }
0x9d: {  	[timem:s7], [sflag:s22] =	dma.local [hbm:s5], s20  }
0x9e: {  	_ =	swait.ge [sflag:s22], s20  }
0x9f: {  	s4 =	ssub.s32 $0x0, s20;
	[sflag:s22] =	ssyncset.done $0x0  }
0xa0: {  	[sflag:s22] =	ssyncadd.s32 s4;
	_ =	sdelay $0x1  }
0xa1: {  	s23 =	simm.s32 $0x1B8B  }
0xa2: {  	_ =	swait.ge [sflag:s23], $0x1  }
0xa3: {  	[sflag:s23] =	ssyncset.done $0x0  }
0xa4: {  	s25 =	simm.s32 $0x1B8E;
	s24 =	sld [smem:$0x3FFE];
	[sflag:s23] =	ssyncadd.s32 $0xFFFFFFFF  }
0xa5: {  	s26 =	simm.s32 $execute0_lowered;
	[smem:$0x3FD2] =	sst s25  }
0xa6: {  	s5 =	sshll.u32 s26, $0x1;
	_ =	strace $0x80000046;
	[dreg:$0x1] =	wrdreg $0xFFFFFFFF  }
0xa7: {  	s28 =	simm.s32 $_size_execute0_lowered;
	s3 =	sadd.s32 s3, s5;
	[dreg:$0x0] =	wrdreg $0x0  }
0xa8: {  	s5 =	sshll.u32 s28, $0x1;
	[dreg:$0x2] =	wrdreg s3  }
0xa9: {  	[dreg:$0x3] =	wrdreg s5  }
0xaa: {  	[dreg:$0x4] =	wrdreg $0xC0  }
0xab: {  	_ =	task [dreg:s7], $0x5FFFF  }
0xac: {  	[dreg:$0x1] =	wrdreg $0xFFFFFFFF  }
0xad: {  	[dreg:$0x0] =	wrdreg $0x60  }
0xae: {  	[dreg:$0x2] =	wrdreg s2  }
0xaf: {  	[dreg:$0x3] =	wrdreg s24  }
0xb0: {  	[dreg:$0x4] =	wrdreg $0x9  }
0xb1: {  	_ =	task.clear_ibuf [dreg:s7], $0x5FFFF;
	_ =	strace $0x90000046  }
0xb2: {  	s29 =	simm.s32 $0x9;
	_ =	strace $0x80000048  }
0xb3: {  	_ =	swait.ge [sflag:s29], $0x1  }
0xb4: {  	[sflag:s29] =	ssyncadd.s32 $0xFFFFFFFF  }
0xb5: {  	_ =	strace $0x90000048  }
0xb6: {  	_ =	sfence  }
0xb7: {  	s30 =	sld [smem:$0x0];
	_ =	sdelay $0x2  }
0xb8: {  	s31 =	sshll.u32 s1, $0xD;
	s1 =	sshrl.u32 s1, $0x2  }
0xb9: {  	s3 =	sand.u32 $0x4000, s31;
	s1 =	sadd.s32 s1, s30  }
0xba: {  	s0 =	sor.u32 s3, s0;
	s1 =	sshll.u32 s1, $0x11  }
0xbb: {  	s0 =	sor.u32 s1, s0  }
0xbc: {  	s0 =	sadd.s32 $0x8F2B, s0  }
0xbd: {  	[sflag:s0] =	ssyncadd.remote.s32 $0x1  }
0xbe: {  	_ =	sfence.sel $0xFFFF  }
0xbf: {  	[dreg:$0x0] =	wrdreg $0xFFFFFFFF;
	(pc) =	sbr.abs _section_cstart, $3  }
0xc0: {  	[dreg:$0x1] =	wrdreg $0xFFFFFFFF  }
0xc1: {  	_ =	task.clear_ibuf [dreg:s7], $0x2FFFF;
	_ =	strace $0x9FFFFFFF  }
0xc2: {  	(tm) =	ssettm $0x7FFFFFFF  }
0xc3: {  	_ =	shalt  }
tec
execute0_lowered:
.L_overlay_start_1:
0x0: {  	(tag) =	ssettag $0x1  }
0x1: {  	s1 =	rddreg [dreg:$0x1];
	s11 =	simm.s32 $0x0  }
0x2: {  	s5 =	simm.s32 $0x3D00;
	[smem:$0x7FF] =	sst s11  }
0x3: {  	s6 =	simm.s32 $0x4D00;
	_ =	strace $0x80000047;
	[dreg:$0x4] =	wrdreg s5  }
0x4: {  	s7 =	simm.s32 $0x5D00;
	[dreg:$0x5] =	wrdreg s6  }
0x5: {  	s8 =	simm.s32 $0x6D00;
	[dreg:$0x6] =	wrdreg s7  }
0x6: {  	s9 =	simm.s32 $0x7D00;
	[dreg:$0x7] =	wrdreg s8  }
0x7: {  	s10 =	simm.s32 $0x8D00;
	[dreg:$0x8] =	wrdreg s9  }
0x8: {  	s12 =	simm.s32 $0x9D00;
	[dreg:$0x9] =	wrdreg s10  }
0x9: {  	s13 =	simm.s32 $0xAD00;
	[dreg:$0xa] =	wrdreg s12  }
0xa: {  	s14 =	simm.s32 $0xBD00;
	[dreg:$0xb] =	wrdreg s13  }
0xb: {  	s15 =	simm.s32 $0xCD00;
	[dreg:$0xc] =	wrdreg s14  }
0xc: {  	s17 =	sadd.s32 $0x400, s1;
	[dreg:$0xd] =	wrdreg s15  }
0xd: {  	s16 =	simm.s32 $0xDD00;
	[dreg:$0x1b] =	wrdreg s17  }
0xe: {  	s18 =	simm.s32 $0xFD00;
	[dreg:$0xe] =	wrdreg s16  }
0xf: {  	s19 =	simm.s32 $0x10D00;
	[dreg:$0xf] =	wrdreg s18  }
0x10: {  	s20 =	simm.s32 $0x11D00;
	[dreg:$0x10] =	wrdreg s19  }
0x11: {  	s0 =	srdreg.scid;
	s22 =	simm.s32 $0x12D00;
	[dreg:$0x11] =	wrdreg s20  }
0x12: {  	s3 =	stileid.u32;
	s23 =	simm.s32 $0x13D00;
	[dreg:$0x12] =	wrdreg s22  }
0x13: {  	s25 =	simm.s32 $0x14D00;
	s26 =	simm.s32 $0x15D00;
	[dreg:$0x13] =	wrdreg s23  }
0x14: {  	s28 =	simm.s32 $0x16D00;
	s29 =	simm.s32 $0x17D00;
	[dreg:$0x14] =	wrdreg s25  }
0x15: {  	v2 =	vimm.s32 $0xECA86420;
	s30 =	simm.s32 $0x18D00;
	s31 =	simm.s32 $0x19D00;
	[dreg:$0x15] =	wrdreg s26  }
0x16: {  	v1 =	vlaneseq.u32;
	vm0 =	vcmask $0xB08;
	vm1 =	vcmask $0x1310;
	s0 =	sand.u32 $0x1, s0;
	s2 =	smul.u32 $0x36000, s3;
	[dreg:$0x16] =	wrdreg s28  }
0x17: {  	vm2 =	vcmask $0x1B18;
	vm3 =	vcmask $0x300;
	vm4 =	vcmask $0x2320;
	s21 =	sshrl.u32 s3, $0x2;
	s4 =	smul.u32 $0x1B000, s0;
	[dreg:$0x17] =	wrdreg s29  }
0x18: {  	vm5 =	vcmask $0x2B28;
	vm6 =	vcmask $0x3330;
	vm7 =	vcmask $0x3B38;
	s12 =	sadd.s32 $0x600, s1;
	s0 =	ssub.s32 $0x2, s0;
	[dreg:$0x18] =	wrdreg s30  }
0x19: {  	vm8 =	vmmov $0xff;
	vm9 =	vcmask $0x704;
	vm10 =	vcmask $0xF0C;
	[dreg:$0x19] =	wrdreg s31;
	s24 =	sshrl.u32 s0, $0x1;
	s2 =	sadd.s32 s4, s2  }
0x1a: {  	vm11 =	vcmask $0x1714;
	vm12 =	vcmask $0x1F1C;
	v2 =	vunpack.c.l.s4.s8 v2;
	s0 =	ssub.s32 s0, s24;
	[dreg:$0x3] =	wrdreg s2;
	s2 =	smul.u32 $0x240, s21  }
0x1b: {  	vm13 =	vcmask $0x2724;
	vm14 =	vcmask $0x2F2C;
	vm15 =	vcmask $0x3734;
	s8 =	simm.s32 $0x100;
	[dreg:$0x1c] =	wrdreg s12;
	s0 =	smax.u32 s0, $0x1  }
0x1c: {  	v3 =	vmul.u32 $0x2, v1;
	s10 =	simm.s32 $0x1;
	v2 =	vunpack.c.0.s8.s32 v2;
	[dreg:$0x1d] =	wrdreg s0;
	v0 =	vmov s2;
	s2 =	simm.s32 $0x0  }
.LBB2_1:
0x1d: {  	v5 =	vor.u32 s11, v1  }
0x1e: {  	v4 =	vmov s11;
	v6 =	vmulhi.u32 $0xAAAAAAAB, v5  }
0x1f: {  	v7 =	vmulhi.u32 $0xAAAAAAAB, v4;
	_ =	sdelay $0x1  }
0x20: {  	v4 =	vshrl.u32 v6, $0x4;
	v6 =	vshrl.u32 v7, $0x8  }
0x21: {  	v7 =	vmul.u32 $0xFFFFFFE8, v4;
	v6 =	vmul.u32 $0x18, v6;
	_ =	sdelay $0x1  }
0x22: {  	[dreg:$0x1e] =	wrdreg s2;
	v5 =	vadd.s32 v5, v7;
	v6 =	vadd.s32 v0, v6  }
0x23: {  	s0 =	rddreg [dreg:$0x1b];
	s9 =	simm.s32 $0x4;
	v5 =	vadd.s32 v5, v6  }
0x24: {  	[tilespmem:s11], [sflag:$0x4] =	stream.linear.gather [hbm4b:s0+s11], $0x900, $0x38;
	[tilespmem:$0x1AD00] =	vst v63  }
0x25: {  	_ =	swait.ge [sflag:s9], $0x900  }
0x26: {  	[sflag:s9] =	ssyncset.done $0x0  }
0x27: {  	[sflag:s9] =	ssyncadd.s32 $0xFFFFF700  }
0x28: {  	v5 =	vld.idx.msk [tilespmem:v5+s11+$0x0], $0xffff;
	_ =	sdelay $0x4  }
0x29: {  	(v2sf) =	vpush v5, $0x9  }
0x2a: {  	(v2sf) =	vpush v5, $0x2;
	_ =	sdelay $0x1  }
0x2b: {  	(v2sf) =	vpush v5, $0x8;
	_ =	sdelay $0x1  }
0x2c: {  	(v2sf) =	vpush v5, $0xD;
	_ =	sdelay $0x1  }
0x2d: {  	(v2sf) =	vpush v5, $0xA;
	_ =	sdelay $0x1  }
0x2e: {  	(v2sf) =	vpush v5, $0xE  }
0x2f: {  	(v2sf) =	vpush v5, $0x1;
	_ =	sdelay $0x1  }
0x30: {  	(v2sf) =	vpush v5, $0x7;
	_ =	sdelay $0x1  }
0x31: {  	(v2sf) =	vpush v5, $0xF  }
0x32: {  	(v2sf) =	vpush v5, $0xC;
	s11 =	spop (v2sf)  }
0x33: {  	s1 =	spop (v2sf);
	s3 =	smulhi.u32 $0x2AAAAAAB, s11  }
0x34: {  	(v2sf) =	vpush v5, $0x0;
	s9 =	sshra.s32 s11, $0x1F;
	s14 =	smulhi.u32 $0x2AAAAAAB, s1  }
0x35: {  	(v2sf) =	vpush v5, $0x4;
	s4 =	spop (v2sf);
	s9 =	smul.u32 $0x2AAAAAAB, s9  }
0x36: {  	(v2sf) =	vpush v5, $0x3;
	s1 =	sshra.s32 s1, $0x1F;
	s12 =	sshra.s32 s4, $0x1F;
	s4 =	smulhi.u32 $0x2AAAAAAB, s4  }
0x37: {  	s13 =	simm.s32 $0x900;
	s7 =	spop (v2sf);
	s1 =	smul.u32 $0x2AAAAAAB, s1  }
0x38: {  	[dreg:$0x1a] =	wrdreg s13;
	(v2sf) =	vpush v5, $0xB;
	s21 =	smulhi.u32 $0x2AAAAAAB, s7  }
0x39: {  	s13 =	spop (v2sf);
	s12 =	smul.u32 $0x2AAAAAAB, s12  }
0x3a: {  	s16 =	simm.s32 $0x10;
	s23 =	sshra.s32 s13, $0x1F;
	s13 =	smulhi.u32 $0x2AAAAAAB, s13  }
0x3b: {  	s15 =	spop (v2sf);
	s4 =	sadd.s32 s12, s4;
	s12 =	smul.u32 $0x2AAAAAAB, s23  }
0x3c: {  	s24 =	spop (v2sf);
	s19 =	sshra.s32 s15, $0x1F;
	s15 =	smulhi.u32 $0x2AAAAAAB, s15  }
0x3d: {  	s17 =	simm.s32 $0x910;
	s26 =	sshra.s32 s7, $0x1F;
	s25 =	smulhi.u32 $0x2AAAAAAB, s24  }
0x3e: {  	s11 =	spop (v2sf);
	s6 =	smul.u32 $0x2AAAAAAB, s19;
	s19 =	sadd.s32 s1, s14  }
0x3f: {  	s18 =	sshra.s32 s4, $0x2;
	s29 =	sshrl.u32 s4, $0x1F;
	s24 =	sshra.s32 s24, $0x1F  }
0x40: {  	s5 =	smulhi.u32 $0x2AAAAAAB, s11;
	s30 =	spop (v2sf);
	s7 =	sshra.s32 s11, $0x1F  }
0x41: {  	s2 =	sadd.s32 s12, s13;
	s13 =	sadd.s32 s9, s3;
	s31 =	spop (v2sf)  }
0x42: {  	s22 =	sshra.s32 s30, $0x1F;
	s28 =	smul.u32 $0x2AAAAAAB, s7;
	s20 =	sshra.s32 s31, $0x1F  }
0x43: {  	s4 =	sshra.s32 s2, $0x2;
	s1 =	spop (v2sf);
	s14 =	smul.u32 $0x2AAAAAAB, s20  }
0x44: {  	s20 =	spop (v2sf);
	s0 =	smulhi.u32 $0x2AAAAAAB, s1;
	s7 =	sshra.s32 s1, $0x1F  }
0x45: {  	s1 =	sadd.s32 s6, s15;
	s15 =	smulhi.u32 $0x2AAAAAAB, s31;
	s23 =	spop (v2sf)  }
0x46: {  	v6 =	vmov s18;
	s31 =	sshrl.u32 s2, $0x1F;
	s18 =	sadd.s32 s28, s5;
	s11 =	sshra.s32 s23, $0x1F  }
0x47: {  	s2 =	sadd.s32 s14, s15;
	s14 =	smul.u32 $0x2AAAAAAB, s24;
	s12 =	spop (v2sf);
	(v2sf) =	vpush v5, $0x6  }
0x48: {  	s28 =	sshrl.u32 s1, $0x1F;
	s24 =	smul.u32 $0x2AAAAAAB, s11;
	s6 =	sshra.s32 s12, $0x1F;
	(v2sf) =	vpush v5, $0x5  }
.LBB2_2:
0x49: {  	_ = 	snop  }
0x4a: {  	s26 =	smul.u32 $0x2AAAAAAB, s26  }
0x4b: {  	s30 =	smulhi.u32 $0x2AAAAAAB, s30  }
0x4c: {  	s9 =	sshra.s32 s13, $0x2;
	s11 =	sshra.s32 s20, $0x1F;
	s6 =	smul.u32 $0x2AAAAAAB, s6  }
0x4d: {  	s5 =	sshrl.u32 s2, $0x1F;
	v6 =	vsel vm0, s9, v6;
	s9 =	sadd.s32 s14, s25;
	s25 =	smul.u32 $0x2AAAAAAB, s11  }
0x4e: {  	s3 =	sshra.s32 s2, $0x2;
	s15 =	sshrl.u32 s13, $0x1F;
	v9 =	vmov s5;
	s5 =	smulhi.u32 $0x2AAAAAAB, s12  }
0x4f: {  	v8 =	vmov s29;
	s1 =	sshra.s32 s1, $0x2;
	s21 =	sadd.s32 s26, s21;
	s26 =	smul.u32 $0x2AAAAAAB, s7  }
0x50: {  	v8 =	vsel vm0, s15, v8;
	s14 =	sshra.s32 s18, $0x1F;
	s15 =	smul.u32 $0x2AAAAAAB, s22;
	s7 =	sshra.s32 s9, $0x2  }
0x51: {  	s13 =	sshra.s32 s9, $0x1F;
	s9 =	sshrl.u32 s9, $0x1F;
	s0 =	sadd.s32 s26, s0  }
0x52: {  	v6 =	vsel vm1, s4, v6;
	v10 =	vmov s14;
	s12 =	sshra.s32 s21, $0x2;
	s4 =	sshrl.u32 s21, $0x1F;
	s21 =	sshra.s32 s0, $0x2  }
0x53: {  	v7 =	vmov s3;
	s2 =	sadd.s32 s6, s5;
	v9 =	vsel vm0, s4, v9;
	s4 =	sadd.s32 s15, s30;
	s22 =	sshra.s32 s0, $0x1F;
	v10 =	vsel vm3, s21, v10  }
0x54: {  	v7 =	vsel vm0, s12, v7;
	s26 =	smulhi.u32 $0x2AAAAAAB, s23;
	s11 =	sshrl.u32 s2, $0x1F;
	s2 =	sshra.s32 s2, $0x2;
	v10 =	vsel vm9, s22, v10  }
0x55: {  	s23 =	sshra.s32 s19, $0x2;
	v7 =	vsel vm1, s1, v7;
	s0 =	sshrl.u32 s0, $0x1F;
	s5 =	sshra.s32 s4, $0x2;
	v10 =	vsel vm0, s7, v10  }
0x56: {  	v6 =	vsel vm2, s2, v6;
	v7 =	vsel vm2, s5, v7;
	s21 =	sadd.s32 s24, s26;
	s26 =	sshra.s32 s19, $0x1F;
	v10 =	vsel vm10, s13, v10;
	s1 =	spop (v2sf)  }
0x57: {  	v12 =	vmov s16;
	s5 =	sshrl.u32 s19, $0x1F;
	s22 =	smulhi.u32 $0x2AAAAAAB, s20;
	v6 =	vcombine.low v6, v7;
	v7 =	vsel vm1, s23, v10;
	s14 =	spop (v2sf)  }
0x58: {  	v13 =	vor.u32 s16, v1;
	v8 =	vsel vm1, s31, v8;
	s13 =	sshra.s32 s21, $0x2;
	v7 =	vsel vm11, s26, v7;
	s15 =	smulhi.u32 $0x2AAAAAAB, s14;
	s6 =	sshra.s32 s14, $0x1F  }
0x59: {  	v8 =	vsel vm2, s11, v8;
	v11 =	vmov s0;
	s7 =	sshra.s32 s21, $0x1F;
	s11 =	sadd.s32 s25, s22;
	v7 =	vsel vm2, s13, v7;
	s6 =	smul.u32 $0x2AAAAAAB, s6  }
0x5a: {  	v14 =	vmulhi.u32 $0xAAAAAAAB, v13;
	v11 =	vnsel vm3, $0x0, v11;
	s13 =	sshra.s32 s11, $0x2;
	v7 =	vsel vm12, s7, v7;
	s0 =	smulhi.u32 $0x2AAAAAAB, s1;
	s1 =	sshra.s32 s1, $0x1F  }
0x5b: {  	v61 =	vmulhi.u32 $0xAAAAAAAB, v12;
	v11 =	vsel vm0, s9, v11;
	v7 =	vsel vm4, s13, v7;
	s1 =	smul.u32 $0x2AAAAAAB, s1;
	s3 =	sadd.s32 s6, s15;
	s15 =	sshra.s32 s11, $0x1F  }
0x5c: {  	v9 =	vsel vm1, s28, v9;
	s4 =	sshrl.u32 s4, $0x1F;
	s24 =	sshrl.u32 s21, $0x1F;
	v11 =	vsel vm1, s5, v11;
	v7 =	vsel vm13, s15, v7;
	s20 =	sshra.s32 s3, $0x2  }
0x5d: {  	v9 =	vsel vm2, s4, v9;
	v11 =	vsel vm2, s24, v11;
	s14 =	sshrl.u32 s11, $0x1F;
	s0 =	sadd.s32 s1, s0;
	s21 =	sshra.s32 s3, $0x1F;
	v7 =	vsel vm5, s20, v7  }
0x5e: {  	v8 =	vcombine.low v8, v9;
	v11 =	vsel vm4, s14, v11;
	s23 =	sshra.s32 s0, $0x2;
	s6 =	sshrl.u32 s3, $0x1F;
	v7 =	vsel vm14, s21, v7  }
0x5f: {  	v62 =	vshrl.u32 v14, $0x4;
	s22 =	sshrl.u32 s0, $0x1F;
	s0 =	sshra.s32 s0, $0x1F;
	v11 =	vsel vm5, s6, v11;
	v7 =	vsel vm6, s23, v7  }
0x60: {  	s19 =	sshrl.u32 s18, $0x1F;
	v8 =	vperm.xlane v8, v2;
	s24 =	sshra.s32 s18, $0x2;
	v63 =	vsel vm6, s22, v11;
	v7 =	vsel vm15, s0, v7  }
0x61: {  	v6 =	vperm.xlane v6, v2;
	v9 =	vsel vm7, s19, v63;
	v7 =	vsel vm7, s24, v7  }
0x62: {  	v10 =	vshrl.u32 v61, $0x8;
	v9 =	vperm.xlane v9, v3;
	v7 =	vperm.xlane v7, v3  }
0x63: {  	v14 =	vmul.u32 $0xFFFFFFE8, v62;
	v10 =	vmul.u32 $0x18, v10  }
0x64: {  	v8 =	vsel vm8, v9, v8;
	v6 =	vsel vm8, v7, v6  }
0x65: {  	v13 =	vadd.s32 v13, v14;
	v10 =	vadd.s32 v0, v10;
	v6 =	vadd.s32 v8, v6  }
0x66: {  	v7 =	vand.u32 $0xF, v4;
	v8 =	vmul.u32 $0xFFFFFFE8, v6;
	v6 =	vshll.u32 v6, $0x4  }
0x67: {  	v10 =	vadd.s32 v13, v10;
	v6 =	vor.u32 v7, v6  }
0x68: {  	v6 =	vmul.u32 $0x18, v6  }
0x69: {  	v5 =	vadd.s32 v5, v8  }
0x6a: {  	s26 =	rddreg [dreg:$0x1a];
	v5 =	vadd.s32 v5, v6  }
0x6b: {  	s25 =	simm.s32 $0x0;
	[tilespmem:s26+$0x0] =	vst v5  }
0x6c: {  	v5 =	vld.idx.msk [tilespmem:v10+s25+$0x0], $0xffff;
	_ =	sdelay $0x4  }
0x6d: {  	(v2sf) =	vpush v5, $0x9  }
0x6e: {  	(v2sf) =	vpush v5, $0x2;
	_ =	sdelay $0x1  }
0x6f: {  	(v2sf) =	vpush v5, $0x8;
	_ =	sdelay $0x1  }
0x70: {  	(v2sf) =	vpush v5, $0xD;
	_ =	sdelay $0x1  }
0x71: {  	(v2sf) =	vpush v5, $0xA  }
0x72: {  	(v2sf) =	vpush v5, $0xE  }
0x73: {  	(v2sf) =	vpush v5, $0x1;
	_ =	sdelay $0x1  }
0x74: {  	(v2sf) =	vpush v5, $0x7;
	_ =	sdelay $0x2  }
0x75: {  	(v2sf) =	vpush v5, $0xF  }
0x76: {  	(v2sf) =	vpush v5, $0xC;
	s3 =	spop (v2sf)  }
0x77: {  	(v2sf) =	vpush v5, $0x0;
	s18 =	smulhi.u32 $0x2AAAAAAB, s3;
	s4 =	spop (v2sf)  }
0x78: {  	s9 =	sshra.s32 s3, $0x1F;
	s5 =	smulhi.u32 $0x2AAAAAAB, s4  }
0x79: {  	s11 =	spop (v2sf);
	s9 =	smul.u32 $0x2AAAAAAB, s9  }
0x7a: {  	p0 =	sne.s32 s16, $0x23F0;
	(v2sf) =	vpush v5, $0x4;
	s1 =	sshra.s32 s4, $0x1F;
	s3 =	smulhi.u32 $0x2AAAAAAB, s11  }
0x7b: {  	s2 =	smov.u32 s17;
	(v2sf) =	vpush v5, $0x3;
	s13 =	spop (v2sf);
	s1 =	smul.u32 $0x2AAAAAAB, s1  }
0x7c: {  	[dreg:$0x1a] =	wrdreg s2;
	(v2sf) =	vpush v5, $0xB;
	s12 =	sshra.s32 s11, $0x1F;
	s21 =	smulhi.u32 $0x2AAAAAAB, s13  }
0x7d: {  	s16 =	sadd.s32 $0x10, s16;
	s14 =	spop (v2sf);
	s4 =	smul.u32 $0x2AAAAAAB, s12  }
0x7e: {  	s17 =	sadd.s32 $0x10, s17;
	s11 =	spop (v2sf);
	s0 =	smulhi.u32 $0x2AAAAAAB, s14  }
0x7f: {  	s6 =	spop (v2sf);
	s20 =	sshra.s32 s11, $0x1F;
	s11 =	smulhi.u32 $0x2AAAAAAB, s11  }
0x80: {  	s26 =	sshra.s32 s13, $0x1F;
	s7 =	sshra.s32 s14, $0x1F;
	s25 =	smulhi.u32 $0x2AAAAAAB, s6  }
0x81: {  	s3 =	sadd.s32 s4, s3;
	s15 =	spop (v2sf);
	s13 =	smul.u32 $0x2AAAAAAB, s20  }
0x82: {  	s4 =	sshra.s32 s3, $0x2;
	s29 =	sshrl.u32 s3, $0x1F;
	s3 =	smul.u32 $0x2AAAAAAB, s7  }
0x83: {  	s19 =	sadd.s32 s1, s5;
	s14 =	sshra.s32 s6, $0x1F;
	s5 =	smulhi.u32 $0x2AAAAAAB, s15  }
0x84: {  	s23 =	sshra.s32 s15, $0x1F;
	s30 =	spop (v2sf);
	s14 =	smul.u32 $0x2AAAAAAB, s14  }
0x85: {  	s22 =	sshra.s32 s30, $0x1F;
	s1 =	spop (v2sf);
	s15 =	smul.u32 $0x2AAAAAAB, s23  }
0x86: {  	s3 =	sadd.s32 s3, s0;
	s24 =	sshra.s32 s1, $0x1F;
	s12 =	spop (v2sf)  }
0x87: {  	v6 =	vmov s4;
	s31 =	sshrl.u32 s3, $0x1F;
	s4 =	sshra.s32 s3, $0x2;
	s3 =	smulhi.u32 $0x2AAAAAAB, s1  }
.Ltmp0:
0x88: {  	s1 =	sadd.s32 s13, s11;
	s13 =	sadd.s32 s9, s18;
	(pc) =	sbr.rel @p0 .LBB2_2-.Ltmp0, $4  }
0x89: {  	s2 =	smul.u32 $0x2AAAAAAB, s24;
	s20 =	spop (v2sf);
	s7 =	sshra.s32 s12, $0x1F  }
0x8a: {  	s0 =	smulhi.u32 $0x2AAAAAAB, s12;
	s28 =	sshrl.u32 s1, $0x1F;
	s23 =	spop (v2sf)  }
0x8b: {  	s18 =	sadd.s32 s15, s5;
	(v2sf) =	vpush v5, $0x6;
	s24 =	sshra.s32 s23, $0x1F;
	s12 =	spop (v2sf)  }
0x8c: {  	v4 =	vmov v62;
	s2 =	sadd.s32 s2, s3;
	s24 =	smul.u32 $0x2AAAAAAB, s24;
	(v2sf) =	vpush v5, $0x5;
	s6 =	sshra.s32 s12, $0x1F  }
0x8d: {  	s3 =	smul.u32 $0x2AAAAAAB, s26  }
0x8e: {  	s11 =	smulhi.u32 $0x2AAAAAAB, s30  }
0x8f: {  	s7 =	smul.u32 $0x2AAAAAAB, s7  }
0x90: {  	s5 =	sshra.s32 s2, $0x2;
	s9 =	sshra.s32 s13, $0x2;
	s12 =	smulhi.u32 $0x2AAAAAAB, s12  }
0x91: {  	s2 =	sshrl.u32 s2, $0x1F;
	s15 =	sshra.s32 s20, $0x1F;
	s26 =	smul.u32 $0x2AAAAAAB, s22  }
0x92: {  	s13 =	sshrl.u32 s13, $0x1F;
	s14 =	sadd.s32 s14, s25;
	s6 =	smul.u32 $0x2AAAAAAB, s6  }
0x93: {  	s30 =	sshra.s32 s18, $0x1F;
	s1 =	sshra.s32 s1, $0x2;
	s15 =	smul.u32 $0x2AAAAAAB, s15  }
0x94: {  	s16 =	sshra.s32 s14, $0x2;
	v7 =	vmov s30;
	s30 =	smulhi.u32 $0x2AAAAAAB, s23;
	s3 =	sadd.s32 s3, s21  }
0x95: {  	s7 =	sadd.s32 s7, s0;
	s21 =	sshra.s32 s14, $0x1F;
	s14 =	sshrl.u32 s14, $0x1F  }
0x96: {  	s0 =	sadd.s32 s26, s11;
	s6 =	sadd.s32 s6, s12;
	s25 =	sshra.s32 s7, $0x2  }
0x97: {  	v6 =	vsel vm0, s9, v6;
	s17 =	sshra.s32 s3, $0x2;
	s3 =	sshrl.u32 s3, $0x1F;
	s26 =	sshra.s32 s7, $0x1F;
	v7 =	vsel vm3, s25, v7  }
0x98: {  	v6 =	vsel vm1, s4, v6;
	s23 =	sshrl.u32 s7, $0x1F;
	s4 =	sshra.s32 s0, $0x2;
	s11 =	sadd.s32 s24, s30;
	v7 =	vsel vm9, s26, v7  }
0x99: {  	v9 =	vmov s29;
	v8 =	vmov s5;
	s30 =	sshra.s32 s19, $0x2;
	s22 =	sshrl.u32 s6, $0x1F;
	s24 =	sshrl.u32 s19, $0x1F;
	v7 =	vsel vm0, s16, v7  }
0x9a: {  	v9 =	vsel vm0, s13, v9;
	v11 =	vmov s23;
	s23 =	sshra.s32 s11, $0x2;
	s26 =	smulhi.u32 $0x2AAAAAAB, s20;
	v7 =	vsel vm10, s21, v7;
	s12 =	spop (v2sf)  }
0x9b: {  	v10 =	vmov s2;
	v9 =	vsel vm1, s31, v9;
	s21 =	sshra.s32 s19, $0x1F;
	v7 =	vsel vm1, s30, v7;
	s7 =	smulhi.u32 $0x2AAAAAAB, s12;
	s25 =	spop (v2sf)  }
0x9c: {  	v8 =	vsel vm0, s17, v8;
	v10 =	vsel vm0, s3, v10;
	s20 =	sadd.s32 s15, s26;
	v7 =	vsel vm11, s21, v7;
	s29 =	smulhi.u32 $0x2AAAAAAB, s25;
	s9 =	sshra.s32 s25, $0x1F  }
0x9d: {  	v9 =	vsel vm2, s22, v9;
	v10 =	vsel vm1, s28, v10;
	v7 =	vsel vm2, s23, v7;
	s12 =	sshra.s32 s12, $0x1F;
	s25 =	sshra.s32 s11, $0x1F;
	s9 =	smul.u32 $0x2AAAAAAB, s9  }
0x9e: {  	s0 =	sshrl.u32 s0, $0x1F;
	v11 =	vnsel vm3, $0x0, v11;
	v8 =	vsel vm1, s1, v8;
	s28 =	sshra.s32 s20, $0x2;
	s26 =	smul.u32 $0x2AAAAAAB, s12;
	v7 =	vsel vm12, s25, v7  }
0x9f: {  	v11 =	vsel vm0, s14, v11;
	v8 =	vsel vm2, s4, v8;
	s30 =	sshrl.u32 s11, $0x1F;
	s31 =	sshra.s32 s20, $0x1F;
	v7 =	vsel vm4, s28, v7;
	s2 =	sadd.s32 s9, s29  }
0xa0: {  	v10 =	vsel vm2, s0, v10;
	v11 =	vsel vm1, s24, v11;
	s1 =	sadd.s32 s26, s7;
	s29 =	sshra.s32 s6, $0x2;
	v7 =	vsel vm13, s31, v7;
	s7 =	sshra.s32 s2, $0x2  }
0xa1: {  	v9 =	vcombine.low v9, v10;
	v11 =	vsel vm2, s30, v11;
	s6 =	sshrl.u32 s20, $0x1F;
	s9 =	sshrl.u32 s2, $0x1F;
	s2 =	sshra.s32 s2, $0x1F;
	v7 =	vsel vm5, s7, v7  }
0xa2: {  	s12 =	sshra.s32 s1, $0x2;
	v6 =	vsel vm2, s29, v6;
	v11 =	vsel vm4, s6, v11;
	v7 =	vsel vm14, s2, v7  }
0xa3: {  	s11 =	sshrl.u32 s1, $0x1F;
	s14 =	sshra.s32 s1, $0x1F;
	v11 =	vsel vm5, s9, v11;
	v6 =	vcombine.low v6, v8;
	v7 =	vsel vm6, s12, v7  }
0xa4: {  	s13 =	sshrl.u32 s18, $0x1F;
	s15 =	sshra.s32 s18, $0x2;
	v9 =	vperm.xlane v9, v2;
	v61 =	vsel vm6, s11, v11;
	v7 =	vsel vm15, s14, v7  }
0xa5: {  	v62 =	vsel vm7, s13, v61;
	v6 =	vperm.xlane v6, v2;
	v7 =	vsel vm7, s15, v7  }
0xa6: {  	v8 =	vperm.xlane v62, v3;
	v7 =	vperm.xlane v7, v3;
	_ =	sdelay $0x1  }
0xa7: {  	s16 =	rddreg [dreg:$0x3];
	v8 =	vsel vm8, v8, v9;
	v6 =	vsel vm8, v7, v6  }
0xa8: {  	s16 =	sadd.s32 $0x0, s16;
	v6 =	vadd.s32 v8, v6  }
0xa9: {  	v4 =	vand.u32 $0xF, v4;
	s17 =	smulhi.u32 $0x38E38E39, s16;
	s1 =	sshra.s32 s16, $0x1F;
	v63 =	vshll.u32 v6, $0x4  }
0xaa: {  	s1 =	smul.u32 $0x38E38E39, s1;
	v6 =	vmul.u32 $0xFFFFFFE8, v6;
	v4 =	vor.u32 v4, v63  }
0xab: {  	v4 =	vmul.u32 $0x18, v4  }
0xac: {  	p0 =	por $0x1, $0x1;
	s0 =	sadd.s32 s1, s17;
	v5 =	vadd.s32 v5, v6  }
0xad: {  	s18 =	rddreg [dreg:$0x1a];
	s1 =	sshrl.u32 s0, $0x1F;
	s0 =	sshra.s32 s0, $0xB;
	v4 =	vadd.s32 v5, v4  }
0xae: {  	s0 =	sadd.s32 s1, s0;
	s1 =	simm.s32 @!p0 $0x2;
	[tilespmem:s18+$0x0] =	vst v4  }
0xaf: {  	s0 =	smul.u32 $0x2400, s0;
	_ =	swait.ge @!p0 [sflag:s1], $0xC000  }
0xb0: {  	[sflag:s1] =	ssyncset.done @!p0 $0x0  }
0xb1: {  	s2 =	ssub.s32 s16, s0;
	s0 =	sshll.u32 s0, $0x1;
	[sflag:s1] =	ssyncadd.s32 @!p0 $0xFFFF4000  }
0xb2: {  	s0 =	sand.u32 $0x1FFFFFFE, s0;
	s9 =	rddreg [dreg:$0x0]  }
0xb3: {  	s13 =	simm.s32 $0x2D00;
	s20 =	sadd.s32 $0x900, s2;
	s0 =	sadd.s32 s9, s0  }
0xb4: {  	[tilespmem:s13], [sflag:$0x1] =	stream.indirect.gather [hbm4b:s0+s8], $0x10, s20, s8, $0xb8;
	[tilespmem:$0x1AD00] =	vst v63  }
0xb5: {  	s21 =	sadd.s32 $0xA00, s2;
	s19 =	rddreg [dreg:$0x4]  }
0xb6: {  	[tilespmem:s19], [sflag:$0x1] =	stream.indirect.gather [hbm4b:s0+s8], $0x10, s21, s8, $0xb8;
	[tilespmem:$0x1AD00] =	vst v63  }
0xb7: {  	s23 =	sadd.s32 $0xB00, s2;
	s22 =	rddreg [dreg:$0x5]  }
0xb8: {  	[tilespmem:s22], [sflag:$0x1] =	stream.indirect.gather [hbm4b:s0+s8], $0x10, s23, s8, $0xb8;
	[tilespmem:$0x1AD00] =	vst v63  }
0xb9: {  	s25 =	sadd.s32 $0xC00, s2;
	s24 =	rddreg [dreg:$0x6]  }
0xba: {  	[tilespmem:s24], [sflag:$0x1] =	stream.indirect.gather [hbm4b:s0+s8], $0x10, s25, s8, $0xb8;
	[tilespmem:$0x1AD00] =	vst v63  }
0xbb: {  	s28 =	sadd.s32 $0xD00, s2;
	s26 =	rddreg [dreg:$0x7]  }
0xbc: {  	[tilespmem:s26], [sflag:$0x1] =	stream.indirect.gather [hbm4b:s0+s8], $0x10, s28, s8, $0xb8;
	[tilespmem:$0x1AD00] =	vst v63  }
0xbd: {  	s30 =	sadd.s32 $0xE00, s2;
	s29 =	rddreg [dreg:$0x8]  }
0xbe: {  	[tilespmem:s29], [sflag:$0x1] =	stream.indirect.gather [hbm4b:s0+s8], $0x10, s30, s8, $0xb8;
	[tilespmem:$0x1AD00] =	vst v63  }
0xbf: {  	s3 =	sadd.s32 $0xF00, s2;
	s31 =	rddreg [dreg:$0x9]  }
0xc0: {  	[tilespmem:s31], [sflag:$0x1] =	stream.indirect.gather [hbm4b:s0+s8], $0x10, s3, s8, $0xb8;
	[tilespmem:$0x1AD00] =	vst v63  }
0xc1: {  	s6 =	sadd.s32 $0x1000, s2;
	s5 =	rddreg [dreg:$0xa]  }
0xc2: {  	[tilespmem:s5], [sflag:$0x1] =	stream.indirect.gather [hbm4b:s0+s8], $0x10, s6, s8, $0xb8;
	[tilespmem:$0x1AD00] =	vst v63  }
0xc3: {  	s11 =	sadd.s32 $0x1100, s2;
	s7 =	rddreg [dreg:$0xb]  }
0xc4: {  	[tilespmem:s7], [sflag:$0x1] =	stream.indirect.gather [hbm4b:s0+s8], $0x10, s11, s8, $0xb8;
	[tilespmem:$0x1AD00] =	vst v63  }
0xc5: {  	s14 =	sadd.s32 $0x1200, s2;
	s12 =	rddreg [dreg:$0xc]  }
0xc6: {  	[tilespmem:s12], [sflag:$0x1] =	stream.indirect.gather [hbm4b:s0+s8], $0x10, s14, s8, $0xb8;
	[tilespmem:$0x1AD00] =	vst v63  }
0xc7: {  	s17 =	sadd.s32 $0x1300, s2;
	s15 =	rddreg [dreg:$0xd]  }
0xc8: {  	[tilespmem:s15], [sflag:$0x1] =	stream.indirect.gather [hbm4b:s0+s8], $0x10, s17, s8, $0xb8;
	[tilespmem:$0x1AD00] =	vst v63  }
0xc9: {  	s18 =	rddreg [dreg:$0xe];
	s19 =	sadd.s32 $0x1400, s2  }
0xca: {  	[tilespmem:s18], [sflag:$0x1] =	stream.indirect.gather [hbm4b:s0+s8], $0x10, s19, s8, $0xb8;
	[tilespmem:$0x1AD00] =	vst v63  }
0xcb: {  	_ =	swait.ge [sflag:s10], $0x1000  }
0xcc: {  	[sflag:s10] =	ssyncset.done $0x0  }
0xcd: {  	[sflag:s10] =	ssyncadd.s32 $0xFFFFF000  }
0xce: {  	_ =	swait.ge [sflag:s10], $0x1000  }
0xcf: {  	[sflag:s10] =	ssyncset.done $0x0  }
0xd0: {  	[sflag:s10] =	ssyncadd.s32 $0xFFFFF000  }
0xd1: {  	_ =	swait.ge [sflag:s10], $0x1000  }
0xd2: {  	[sflag:s10] =	ssyncset.done $0x0  }
0xd3: {  	[sflag:s10] =	ssyncadd.s32 $0xFFFFF000  }
0xd4: {  	_ =	swait.ge [sflag:s10], $0x1000  }
0xd5: {  	[sflag:s10] =	ssyncset.done $0x0  }
0xd6: {  	[sflag:s10] =	ssyncadd.s32 $0xFFFFF000  }
0xd7: {  	_ =	swait.ge [sflag:s10], $0x1000  }
0xd8: {  	[sflag:s10] =	ssyncset.done $0x0  }
0xd9: {  	[sflag:s10] =	ssyncadd.s32 $0xFFFFF000  }
0xda: {  	_ =	swait.ge [sflag:s10], $0x1000  }
0xdb: {  	[sflag:s10] =	ssyncset.done $0x0  }
0xdc: {  	[sflag:s10] =	ssyncadd.s32 $0xFFFFF000  }
0xdd: {  	_ =	swait.ge [sflag:s10], $0x1000  }
0xde: {  	[sflag:s10] =	ssyncset.done $0x0  }
0xdf: {  	[sflag:s10] =	ssyncadd.s32 $0xFFFFF000  }
0xe0: {  	_ =	swait.ge [sflag:s10], $0x1000  }
0xe1: {  	[sflag:s10] =	ssyncset.done $0x0  }
0xe2: {  	[sflag:s10] =	ssyncadd.s32 $0xFFFFF000  }
0xe3: {  	_ =	swait.ge [sflag:s10], $0x1000  }
0xe4: {  	[sflag:s10] =	ssyncset.done $0x0  }
0xe5: {  	[sflag:s10] =	ssyncadd.s32 $0xFFFFF000  }
0xe6: {  	_ =	swait.ge [sflag:s10], $0x1000  }
0xe7: {  	s17 =	sadd.s32 $0xC00, s16;
	[sflag:s10] =	ssyncset.done $0x0  }
0xe8: {  	s20 =	sshra.s32 s17, $0x1F;
	s21 =	smulhi.u32 $0x38E38E39, s17;
	[sflag:s10] =	ssyncadd.s32 $0xFFFFF000  }
0xe9: {  	s22 =	sshll.u32 s16, $0x1;
	s0 =	smul.u32 $0x38E38E39, s20;
	_ =	swait.ge [sflag:s10], $0x1000  }
0xea: {  	s2 =	simm.s32 @!p0 $0x3;
	s23 =	sand.u32 $0x1FFFFFFE, s22;
	[sflag:s10] =	ssyncset.done $0x0  }
0xeb: {  	s11 =	simm.s32 $0x0;
	s0 =	sadd.s32 s0, s21;
	[sflag:s10] =	ssyncadd.s32 $0xFFFFF000  }
0xec: {  	s1 =	sshrl.u32 s0, $0x1F;
	s0 =	sshra.s32 s0, $0xB;
	_ =	swait.ge [sflag:s10], $0x1000  }
0xed: {  	s0 =	sadd.s32 s1, s0;
	[sflag:s10] =	ssyncset.done $0x0;
	s12 =	rddreg [dreg:$0x1c]  }
0xee: {  	s0 =	smul.u32 $0x2400, s0;
	[sflag:s10] =	ssyncadd.s32 $0xFFFFF000;
	s1 =	sadd.s32 s12, s23  }
0xef: {  	[hbm4b:s1+s11] =	stream.linear.scatter [tilespmem:s13], [sflag:$0x2], $0xC000, $0x38;
	[tilespmem:$0x1AD00] =	vst v63  }
0xf0: {  	s14 =	simm.s32 $0xED00;
	s24 =	sshll.u32 s0, $0x1;
	_ =	swait.ge @!p0 [sflag:s2], $0xC000  }
0xf1: {  	s0 =	ssub.s32 s17, s0;
	s1 =	sand.u32 $0x1FFFFFFE, s24;
	[sflag:s2] =	ssyncset.done @!p0 $0x0  }
0xf2: {  	s25 =	sadd.s32 $0x900, s0;
	s1 =	sadd.s32 s9, s1;
	[sflag:s2] =	ssyncadd.s32 @!p0 $0xFFFF4000  }
0xf3: {  	[tilespmem:s14], [sflag:$0x1] =	stream.indirect.gather [hbm4b:s1+s8], $0x10, s25, s8, $0xb8;
	[tilespmem:$0x1AD00] =	vst v63  }
0xf4: {  	s28 =	sadd.s32 $0xA00, s0;
	s26 =	rddreg [dreg:$0xf]  }
0xf5: {  	[tilespmem:s26], [sflag:$0x1] =	stream.indirect.gather [hbm4b:s1+s8], $0x10, s28, s8, $0xb8;
	[tilespmem:$0x1AD00] =	vst v63  }
0xf6: {  	s30 =	sadd.s32 $0xB00, s0;
	s29 =	rddreg [dreg:$0x10]  }
0xf7: {  	[tilespmem:s29], [sflag:$0x1] =	stream.indirect.gather [hbm4b:s1+s8], $0x10, s30, s8, $0xb8;
	[tilespmem:$0x1AD00] =	vst v63  }
0xf8: {  	s5 =	sadd.s32 $0xC00, s0;
	s31 =	rddreg [dreg:$0x11]  }
0xf9: {  	[tilespmem:s31], [sflag:$0x1] =	stream.indirect.gather [hbm4b:s1+s8], $0x10, s5, s8, $0xb8;
	[tilespmem:$0x1AD00] =	vst v63  }
0xfa: {  	s7 =	sadd.s32 $0xD00, s0;
	s6 =	rddreg [dreg:$0x12]  }
0xfb: {  	[tilespmem:s6], [sflag:$0x1] =	stream.indirect.gather [hbm4b:s1+s8], $0x10, s7, s8, $0xb8;
	[tilespmem:$0x1AD00] =	vst v63  }
0xfc: {  	s16 =	sadd.s32 $0xE00, s0;
	s15 =	rddreg [dreg:$0x13]  }
0xfd: {  	[tilespmem:s15], [sflag:$0x1] =	stream.indirect.gather [hbm4b:s1+s8], $0x10, s16, s8, $0xb8;
	[tilespmem:$0x1AD00] =	vst v63  }
0xfe: {  	s19 =	sadd.s32 $0xF00, s0;
	s18 =	rddreg [dreg:$0x14]  }
0xff: {  	[tilespmem:s18], [sflag:$0x1] =	stream.indirect.gather [hbm4b:s1+s8], $0x10, s19, s8, $0xb8;
	[tilespmem:$0x1AD00] =	vst v63  }
0x100: {  	s21 =	sadd.s32 $0x1000, s0;
	s20 =	rddreg [dreg:$0x15]  }
0x101: {  	[tilespmem:s20], [sflag:$0x1] =	stream.indirect.gather [hbm4b:s1+s8], $0x10, s21, s8, $0xb8;
	[tilespmem:$0x1AD00] =	vst v63  }
0x102: {  	s23 =	sadd.s32 $0x1100, s0;
	s22 =	rddreg [dreg:$0x16]  }
0x103: {  	[tilespmem:s22], [sflag:$0x1] =	stream.indirect.gather [hbm4b:s1+s8], $0x10, s23, s8, $0xb8;
	[tilespmem:$0x1AD00] =	vst v63  }
0x104: {  	s24 =	rddreg [dreg:$0x17];
	s25 =	sadd.s32 $0x1200, s0  }
0x105: {  	[tilespmem:s24], [sflag:$0x1] =	stream.indirect.gather [hbm4b:s1+s8], $0x10, s25, s8, $0xb8;
	[tilespmem:$0x1AD00] =	vst v63  }
0x106: {  	s26 =	rddreg [dreg:$0x18];
	s28 =	sadd.s32 $0x1300, s0  }
0x107: {  	[tilespmem:s26], [sflag:$0x1] =	stream.indirect.gather [hbm4b:s1+s8], $0x10, s28, s8, $0xb8;
	[tilespmem:$0x1AD00] =	vst v63  }
0x108: {  	s0 =	sadd.s32 $0x1400, s0;
	s29 =	rddreg [dreg:$0x19]  }
0x109: {  	[tilespmem:s29], [sflag:$0x1] =	stream.indirect.gather [hbm4b:s1+s8], $0x10, s0, s8, $0xb8;
	[tilespmem:$0x1AD00] =	vst v63  }
0x10a: {  	_ =	swait.ge [sflag:s10], $0x1000  }
0x10b: {  	[sflag:s10] =	ssyncset.done $0x0  }
0x10c: {  	[sflag:s10] =	ssyncadd.s32 $0xFFFFF000  }
0x10d: {  	_ =	swait.ge [sflag:s10], $0x1000  }
0x10e: {  	[sflag:s10] =	ssyncset.done $0x0  }
0x10f: {  	[sflag:s10] =	ssyncadd.s32 $0xFFFFF000  }
0x110: {  	_ =	swait.ge [sflag:s10], $0x1000  }
0x111: {  	[sflag:s10] =	ssyncset.done $0x0  }
0x112: {  	[sflag:s10] =	ssyncadd.s32 $0xFFFFF000  }
0x113: {  	_ =	swait.ge [sflag:s10], $0x1000  }
0x114: {  	[sflag:s10] =	ssyncset.done $0x0  }
0x115: {  	[sflag:s10] =	ssyncadd.s32 $0xFFFFF000  }
0x116: {  	_ =	swait.ge [sflag:s10], $0x1000  }
0x117: {  	[sflag:s10] =	ssyncset.done $0x0  }
0x118: {  	[sflag:s10] =	ssyncadd.s32 $0xFFFFF000  }
0x119: {  	_ =	swait.ge [sflag:s10], $0x1000  }
0x11a: {  	[sflag:s10] =	ssyncset.done $0x0  }
0x11b: {  	[sflag:s10] =	ssyncadd.s32 $0xFFFFF000  }
0x11c: {  	_ =	swait.ge [sflag:s10], $0x1000  }
0x11d: {  	[sflag:s10] =	ssyncset.done $0x0  }
0x11e: {  	[sflag:s10] =	ssyncadd.s32 $0xFFFFF000  }
0x11f: {  	_ =	swait.ge [sflag:s10], $0x1000  }
0x120: {  	[sflag:s10] =	ssyncset.done $0x0  }
0x121: {  	[sflag:s10] =	ssyncadd.s32 $0xFFFFF000  }
0x122: {  	_ =	swait.ge [sflag:s10], $0x1000  }
0x123: {  	[sflag:s10] =	ssyncset.done $0x0  }
0x124: {  	[sflag:s10] =	ssyncadd.s32 $0xFFFFF000  }
0x125: {  	_ =	swait.ge [sflag:s10], $0x1000  }
0x126: {  	[sflag:s10] =	ssyncset.done $0x0  }
0x127: {  	[sflag:s10] =	ssyncadd.s32 $0xFFFFF000  }
0x128: {  	_ =	swait.ge [sflag:s10], $0x1000  }
0x129: {  	[sflag:s10] =	ssyncset.done $0x0  }
0x12a: {  	s30 =	sshll.u32 s17, $0x1;
	[sflag:s10] =	ssyncadd.s32 $0xFFFFF000  }
0x12b: {  	s31 =	sand.u32 $0x1FFFFFFE, s30;
	_ =	swait.ge [sflag:s10], $0x1000  }
0x12c: {  	s2 =	sadd.s32 s12, s31;
	s15 =	simm.s32 $0x1800;
	[sflag:s10] =	ssyncset.done $0x0  }
0x12d: {  	s16 =	simm.s32 $0x3000;
	s0 =	rddreg [dreg:$0x3];
	[sflag:s10] =	ssyncadd.s32 $0xFFFFF000  }
.LBB2_4:
0x12e: {  	[hbm4b:s2+s11] =	stream.linear.scatter [tilespmem:s14], [sflag:$0x3], $0xC000, $0x38;
	[tilespmem:$0x1AD00] =	vst v63  }
0x12f: {  	s0 =	sadd.s32 s15, s0  }
0x130: {  	s3 =	smulhi.u32 $0x38E38E39, s0;
	s4 =	sshra.s32 s0, $0x1F  }
0x131: {  	s4 =	smul.u32 $0x38E38E39, s4  }
0x132: {  	s1 =	sadd.s32 $0xC00, s0  }
0x133: {  	s21 =	smov.u32 s16;
	s6 =	sshra.s32 s1, $0x1F;
	s3 =	sadd.s32 s4, s3  }
0x134: {  	s24 =	smulhi.u32 $0x38E38E39, s1;
	s25 =	sshrl.u32 s3, $0x1F;
	s3 =	sshra.s32 s3, $0xB  }
0x135: {  	p1 =	seq.s32 s15, $0x0;
	s22 =	smul.u32 $0x38E38E39, s6;
	s3 =	sadd.s32 s25, s3  }
0x136: {  	s5 =	sshll.u32 s0, $0x1;
	s6 =	simm.s32 @!p1 $0x2;
	s3 =	smul.u32 $0x2400, s3  }
0x137: {  	s15 =	smov.u32 s21;
	s19 =	sand.u32 $0x1FFFFFFE, s5;
	_ =	swait.ge @!p1 [sflag:s6], $0xC000  }
0x138: {  	s4 =	sadd.s32 s22, s24;
	[sflag:s6] =	ssyncset.done @!p1 $0x0;
	s26 =	sshll.u32 s3, $0x1  }
0x139: {  	s28 =	rddreg [dreg:$0x4];
	s0 =	ssub.s32 s0, s3;
	s2 =	sand.u32 $0x1FFFFFFE, s26  }
0x13a: {  	[sflag:s6] =	ssyncadd.s32 @!p1 $0xFFFF4000;
	s29 =	sadd.s32 $0x900, s0;
	s2 =	sadd.s32 s9, s2  }
0x13b: {  	[tilespmem:s13], [sflag:$0x1] =	stream.indirect.gather [hbm4b:s2+s8], $0x10, s29, s8, $0xb8;
	[tilespmem:$0x1AD00] =	vst v63  }
0x13c: {  	s5 =	sshrl.u32 s4, $0x1F;
	s4 =	sshra.s32 s4, $0xB;
	s30 =	sadd.s32 $0xA00, s0  }
0x13d: {  	[tilespmem:s28], [sflag:$0x1] =	stream.indirect.gather [hbm4b:s2+s8], $0x10, s30, s8, $0xb8;
	[tilespmem:$0x1AD00] =	vst v63  }
0x13e: {  	s31 =	rddreg [dreg:$0x5];
	s4 =	sadd.s32 s5, s4;
	s5 =	sadd.s32 $0xB00, s0  }
0x13f: {  	[tilespmem:s31], [sflag:$0x1] =	stream.indirect.gather [hbm4b:s2+s8], $0x10, s5, s8, $0xb8;
	[tilespmem:$0x1AD00] =	vst v63  }
0x140: {  	s23 =	sshll.u32 s1, $0x1;
	s18 =	rddreg [dreg:$0x6];
	s21 =	sadd.s32 $0xC00, s0  }
0x141: {  	[tilespmem:s18], [sflag:$0x1] =	stream.indirect.gather [hbm4b:s2+s8], $0x10, s21, s8, $0xb8;
	[tilespmem:$0x1AD00] =	vst v63  }
0x142: {  	s17 =	sand.u32 $0x1FFFFFFE, s23;
	s22 =	rddreg [dreg:$0x7];
	s23 =	sadd.s32 $0xD00, s0  }
0x143: {  	[tilespmem:s22], [sflag:$0x1] =	stream.indirect.gather [hbm4b:s2+s8], $0x10, s23, s8, $0xb8;
	[tilespmem:$0x1AD00] =	vst v63  }
0x144: {  	s24 =	rddreg [dreg:$0x8];
	s25 =	sadd.s32 $0xE00, s0  }
0x145: {  	[tilespmem:s24], [sflag:$0x1] =	stream.indirect.gather [hbm4b:s2+s8], $0x10, s25, s8, $0xb8;
	[tilespmem:$0x1AD00] =	vst v63  }
0x146: {  	s26 =	rddreg [dreg:$0x9];
	s28 =	sadd.s32 $0xF00, s0  }
0x147: {  	[tilespmem:s26], [sflag:$0x1] =	stream.indirect.gather [hbm4b:s2+s8], $0x10, s28, s8, $0xb8;
	[tilespmem:$0x1AD00] =	vst v63  }
0x148: {  	s4 =	smul.u32 $0x2400, s4;
	s29 =	rddreg [dreg:$0xa];
	s30 =	sadd.s32 $0x1000, s0  }
0x149: {  	[tilespmem:s29], [sflag:$0x1] =	stream.indirect.gather [hbm4b:s2+s8], $0x10, s30, s8, $0xb8;
	[tilespmem:$0x1AD00] =	vst v63  }
0x14a: {  	s7 =	sshll.u32 s4, $0x1;
	s31 =	rddreg [dreg:$0xb];
	s5 =	sadd.s32 $0x1100, s0  }
0x14b: {  	[tilespmem:s31], [sflag:$0x1] =	stream.indirect.gather [hbm4b:s2+s8], $0x10, s5, s8, $0xb8;
	[tilespmem:$0x1AD00] =	vst v63  }
0x14c: {  	s6 =	rddreg [dreg:$0xc];
	s20 =	sand.u32 $0x1FFFFFFE, s7;
	s7 =	sadd.s32 $0x1200, s0  }
0x14d: {  	[tilespmem:s6], [sflag:$0x1] =	stream.indirect.gather [hbm4b:s2+s8], $0x10, s7, s8, $0xb8;
	[tilespmem:$0x1AD00] =	vst v63  }
0x14e: {  	s21 =	rddreg [dreg:$0xd];
	s22 =	sadd.s32 $0x1300, s0  }
0x14f: {  	[tilespmem:s21], [sflag:$0x1] =	stream.indirect.gather [hbm4b:s2+s8], $0x10, s22, s8, $0xb8;
	[tilespmem:$0x1AD00] =	vst v63  }
0x150: {  	s23 =	rddreg [dreg:$0xe];
	s0 =	sadd.s32 $0x1400, s0  }
0x151: {  	[tilespmem:s23], [sflag:$0x1] =	stream.indirect.gather [hbm4b:s2+s8], $0x10, s0, s8, $0xb8;
	[tilespmem:$0x1AD00] =	vst v63  }
0x152: {  	_ =	swait.ge [sflag:s10], $0x1000  }
0x153: {  	[sflag:s10] =	ssyncset.done $0x0  }
0x154: {  	[sflag:s10] =	ssyncadd.s32 $0xFFFFF000  }
0x155: {  	_ =	swait.ge [sflag:s10], $0x1000  }
0x156: {  	[sflag:s10] =	ssyncset.done $0x0  }
0x157: {  	[sflag:s10] =	ssyncadd.s32 $0xFFFFF000  }
0x158: {  	_ =	swait.ge [sflag:s10], $0x1000  }
0x159: {  	[sflag:s10] =	ssyncset.done $0x0  }
0x15a: {  	[sflag:s10] =	ssyncadd.s32 $0xFFFFF000  }
0x15b: {  	_ =	swait.ge [sflag:s10], $0x1000  }
0x15c: {  	[sflag:s10] =	ssyncset.done $0x0  }
0x15d: {  	[sflag:s10] =	ssyncadd.s32 $0xFFFFF000  }
0x15e: {  	_ =	swait.ge [sflag:s10], $0x1000  }
0x15f: {  	[sflag:s10] =	ssyncset.done $0x0  }
0x160: {  	[sflag:s10] =	ssyncadd.s32 $0xFFFFF000  }
0x161: {  	_ =	swait.ge [sflag:s10], $0x1000  }
0x162: {  	[sflag:s10] =	ssyncset.done $0x0  }
0x163: {  	[sflag:s10] =	ssyncadd.s32 $0xFFFFF000  }
0x164: {  	_ =	swait.ge [sflag:s10], $0x1000  }
0x165: {  	[sflag:s10] =	ssyncset.done $0x0  }
0x166: {  	[sflag:s10] =	ssyncadd.s32 $0xFFFFF000  }
0x167: {  	_ =	swait.ge [sflag:s10], $0x1000  }
0x168: {  	[sflag:s10] =	ssyncset.done $0x0  }
0x169: {  	[sflag:s10] =	ssyncadd.s32 $0xFFFFF000  }
0x16a: {  	_ =	swait.ge [sflag:s10], $0x1000  }
0x16b: {  	[sflag:s10] =	ssyncset.done $0x0  }
0x16c: {  	[sflag:s10] =	ssyncadd.s32 $0xFFFFF000  }
0x16d: {  	_ =	swait.ge [sflag:s10], $0x1000  }
0x16e: {  	[sflag:s10] =	ssyncset.done $0x0  }
0x16f: {  	[sflag:s10] =	ssyncadd.s32 $0xFFFFF000  }
0x170: {  	_ =	swait.ge [sflag:s10], $0x1000  }
0x171: {  	[sflag:s10] =	ssyncset.done $0x0  }
0x172: {  	[sflag:s10] =	ssyncadd.s32 $0xFFFFF000  }
0x173: {  	_ =	swait.ge [sflag:s10], $0x1000  }
0x174: {  	s18 =	ssub.s32 s1, s4;
	[sflag:s10] =	ssyncset.done $0x0  }
0x175: {  	s1 =	simm.s32 @!p1 $0x3;
	s24 =	sadd.s32 s12, s19;
	[sflag:s10] =	ssyncadd.s32 $0xFFFFF000  }
0x176: {  	[hbm4b:s24+s11] =	stream.linear.scatter [tilespmem:s13], [sflag:$0x2], $0xC000, $0x38;
	[tilespmem:$0x1AD00] =	vst v63  }
0x177: {  	_ =	swait.ge @!p1 [sflag:s1], $0xC000  }
0x178: {  	[sflag:s1] =	ssyncset.done @!p1 $0x0  }
0x179: {  	s25 =	sadd.s32 $0x900, s18;
	[sflag:s1] =	ssyncadd.s32 @!p1 $0xFFFF4000;
	s1 =	sadd.s32 s9, s20  }
0x17a: {  	[tilespmem:s14], [sflag:$0x1] =	stream.indirect.gather [hbm4b:s1+s8], $0x10, s25, s8, $0xb8;
	[tilespmem:$0x1AD00] =	vst v63  }
0x17b: {  	s28 =	sadd.s32 $0xA00, s18;
	s26 =	rddreg [dreg:$0xf]  }
0x17c: {  	[tilespmem:s26], [sflag:$0x1] =	stream.indirect.gather [hbm4b:s1+s8], $0x10, s28, s8, $0xb8;
	[tilespmem:$0x1AD00] =	vst v63  }
0x17d: {  	s30 =	sadd.s32 $0xB00, s18;
	s29 =	rddreg [dreg:$0x10]  }
0x17e: {  	[tilespmem:s29], [sflag:$0x1] =	stream.indirect.gather [hbm4b:s1+s8], $0x10, s30, s8, $0xb8;
	[tilespmem:$0x1AD00] =	vst v63  }
0x17f: {  	s3 =	sadd.s32 $0xC00, s18;
	s31 =	rddreg [dreg:$0x11]  }
0x180: {  	[tilespmem:s31], [sflag:$0x1] =	stream.indirect.gather [hbm4b:s1+s8], $0x10, s3, s8, $0xb8;
	[tilespmem:$0x1AD00] =	vst v63  }
0x181: {  	s5 =	sadd.s32 $0xD00, s18;
	s4 =	rddreg [dreg:$0x12]  }
0x182: {  	[tilespmem:s4], [sflag:$0x1] =	stream.indirect.gather [hbm4b:s1+s8], $0x10, s5, s8, $0xb8;
	[tilespmem:$0x1AD00] =	vst v63  }
0x183: {  	s7 =	sadd.s32 $0xE00, s18;
	s6 =	rddreg [dreg:$0x13]  }
0x184: {  	[tilespmem:s6], [sflag:$0x1] =	stream.indirect.gather [hbm4b:s1+s8], $0x10, s7, s8, $0xb8;
	[tilespmem:$0x1AD00] =	vst v63  }
0x185: {  	s19 =	rddreg [dreg:$0x14];
	s20 =	sadd.s32 $0xF00, s18  }
0x186: {  	[tilespmem:s19], [sflag:$0x1] =	stream.indirect.gather [hbm4b:s1+s8], $0x10, s20, s8, $0xb8;
	[tilespmem:$0x1AD00] =	vst v63  }
0x187: {  	s22 =	sadd.s32 $0x1000, s18;
	s21 =	rddreg [dreg:$0x15]  }
0x188: {  	[tilespmem:s21], [sflag:$0x1] =	stream.indirect.gather [hbm4b:s1+s8], $0x10, s22, s8, $0xb8;
	[tilespmem:$0x1AD00] =	vst v63  }
0x189: {  	s24 =	sadd.s32 $0x1100, s18;
	s23 =	rddreg [dreg:$0x16]  }
0x18a: {  	[tilespmem:s23], [sflag:$0x1] =	stream.indirect.gather [hbm4b:s1+s8], $0x10, s24, s8, $0xb8;
	[tilespmem:$0x1AD00] =	vst v63  }
0x18b: {  	s25 =	rddreg [dreg:$0x17];
	s26 =	sadd.s32 $0x1200, s18  }
0x18c: {  	[tilespmem:s25], [sflag:$0x1] =	stream.indirect.gather [hbm4b:s1+s8], $0x10, s26, s8, $0xb8;
	[tilespmem:$0x1AD00] =	vst v63  }
0x18d: {  	s28 =	rddreg [dreg:$0x18];
	s29 =	sadd.s32 $0x1300, s18  }
0x18e: {  	[tilespmem:s28], [sflag:$0x1] =	stream.indirect.gather [hbm4b:s1+s8], $0x10, s29, s8, $0xb8;
	[tilespmem:$0x1AD00] =	vst v63  }
0x18f: {  	s30 =	rddreg [dreg:$0x19];
	s31 =	sadd.s32 $0x1400, s18  }
0x190: {  	[tilespmem:s30], [sflag:$0x1] =	stream.indirect.gather [hbm4b:s1+s8], $0x10, s31, s8, $0xb8;
	[tilespmem:$0x1AD00] =	vst v63  }
0x191: {  	_ =	swait.ge [sflag:s10], $0x1000  }
0x192: {  	[sflag:s10] =	ssyncset.done $0x0  }
0x193: {  	[sflag:s10] =	ssyncadd.s32 $0xFFFFF000  }
0x194: {  	_ =	swait.ge [sflag:s10], $0x1000  }
0x195: {  	[sflag:s10] =	ssyncset.done $0x0  }
0x196: {  	[sflag:s10] =	ssyncadd.s32 $0xFFFFF000  }
0x197: {  	_ =	swait.ge [sflag:s10], $0x1000  }
0x198: {  	[sflag:s10] =	ssyncset.done $0x0  }
0x199: {  	[sflag:s10] =	ssyncadd.s32 $0xFFFFF000  }
0x19a: {  	_ =	swait.ge [sflag:s10], $0x1000  }
0x19b: {  	[sflag:s10] =	ssyncset.done $0x0  }
0x19c: {  	[sflag:s10] =	ssyncadd.s32 $0xFFFFF000  }
0x19d: {  	_ =	swait.ge [sflag:s10], $0x1000  }
0x19e: {  	[sflag:s10] =	ssyncset.done $0x0  }
0x19f: {  	[sflag:s10] =	ssyncadd.s32 $0xFFFFF000  }
0x1a0: {  	_ =	swait.ge [sflag:s10], $0x1000  }
0x1a1: {  	[sflag:s10] =	ssyncset.done $0x0  }
0x1a2: {  	[sflag:s10] =	ssyncadd.s32 $0xFFFFF000  }
0x1a3: {  	_ =	swait.ge [sflag:s10], $0x1000  }
0x1a4: {  	[sflag:s10] =	ssyncset.done $0x0  }
0x1a5: {  	[sflag:s10] =	ssyncadd.s32 $0xFFFFF000  }
0x1a6: {  	_ =	swait.ge [sflag:s10], $0x1000  }
0x1a7: {  	[sflag:s10] =	ssyncset.done $0x0  }
0x1a8: {  	[sflag:s10] =	ssyncadd.s32 $0xFFFFF000  }
0x1a9: {  	_ =	swait.ge [sflag:s10], $0x1000  }
0x1aa: {  	[sflag:s10] =	ssyncset.done $0x0  }
0x1ab: {  	[sflag:s10] =	ssyncadd.s32 $0xFFFFF000  }
0x1ac: {  	_ =	swait.ge [sflag:s10], $0x1000  }
0x1ad: {  	[sflag:s10] =	ssyncset.done $0x0  }
0x1ae: {  	s16 =	sadd.s32 $0x1800, s16;
	[sflag:s10] =	ssyncadd.s32 $0xFFFFF000  }
0x1af: {  	p0 =	sne.s32 s16, $0x1B000;
	_ =	swait.ge [sflag:s10], $0x1000  }
.Ltmp1:
0x1b0: {  	[sflag:s10] =	ssyncset.done $0x0;
	(pc) =	sbr.rel @p0 .LBB2_4-.Ltmp1, $4  }
0x1b1: {  	[sflag:s10] =	ssyncadd.s32 $0xFFFFF000  }
0x1b2: {  	_ =	swait.ge [sflag:s10], $0x1000  }
0x1b3: {  	[sflag:s10] =	ssyncset.done $0x0  }
0x1b4: {  	s2 =	sadd.s32 s12, s17;
	s0 =	rddreg [dreg:$0x3];
	[sflag:s10] =	ssyncadd.s32 $0xFFFFF000  }
0x1b5: {  	s1 =	sadd.s32 s15, s0  }
0x1b6: {  	s0 =	smulhi.u32 $0x38E38E39, s1;
	s3 =	sshra.s32 s1, $0x1F  }
0x1b7: {  	s3 =	smul.u32 $0x38E38E39, s3  }
0x1b8: {  	[hbm4b:s2+s11] =	stream.linear.scatter [tilespmem:s14], [sflag:$0x3], $0xC000, $0x38;
	[tilespmem:$0x1AD00] =	vst v63  }
0x1b9: {  	s0 =	sadd.s32 s3, s0  }
0x1ba: {  	s18 =	sshrl.u32 s0, $0x1F;
	s0 =	sshra.s32 s0, $0xB  }
0x1bb: {  	s0 =	sadd.s32 s18, s0  }
0x1bc: {  	p0 =	seq.s32 s15, $0x0;
	s0 =	smul.u32 $0x2400, s0  }
0x1bd: {  	s2 =	simm.s32 @!p0 $0x2  }
0x1be: {  	_ =	swait.ge @!p0 [sflag:s2], $0xC000;
	s3 =	ssub.s32 s1, s0;
	s0 =	sshll.u32 s0, $0x1  }
0x1bf: {  	[sflag:s2] =	ssyncset.done @!p0 $0x0;
	s0 =	sand.u32 $0x1FFFFFFE, s0  }
0x1c0: {  	[sflag:s2] =	ssyncadd.s32 @!p0 $0xFFFF4000;
	s19 =	sadd.s32 $0x900, s3;
	s0 =	sadd.s32 s9, s0  }
0x1c1: {  	[tilespmem:s13], [sflag:$0x1] =	stream.indirect.gather [hbm4b:s0+s8], $0x10, s19, s8, $0xb8;
	[tilespmem:$0x1AD00] =	vst v63  }
0x1c2: {  	s4 =	rddreg [dreg:$0x4];
	s20 =	sadd.s32 $0xA00, s3  }
0x1c3: {  	[tilespmem:s4], [sflag:$0x1] =	stream.indirect.gather [hbm4b:s0+s8], $0x10, s20, s8, $0xb8;
	[tilespmem:$0x1AD00] =	vst v63  }
0x1c4: {  	s5 =	rddreg [dreg:$0x5];
	s21 =	sadd.s32 $0xB00, s3  }
0x1c5: {  	[tilespmem:s5], [sflag:$0x1] =	stream.indirect.gather [hbm4b:s0+s8], $0x10, s21, s8, $0xb8;
	[tilespmem:$0x1AD00] =	vst v63  }
0x1c6: {  	s22 =	rddreg [dreg:$0x6];
	s23 =	sadd.s32 $0xC00, s3  }
0x1c7: {  	[tilespmem:s22], [sflag:$0x1] =	stream.indirect.gather [hbm4b:s0+s8], $0x10, s23, s8, $0xb8;
	[tilespmem:$0x1AD00] =	vst v63  }
0x1c8: {  	s24 =	rddreg [dreg:$0x7];
	s25 =	sadd.s32 $0xD00, s3  }
0x1c9: {  	[tilespmem:s24], [sflag:$0x1] =	stream.indirect.gather [hbm4b:s0+s8], $0x10, s25, s8, $0xb8;
	[tilespmem:$0x1AD00] =	vst v63  }
0x1ca: {  	s26 =	rddreg [dreg:$0x8];
	s28 =	sadd.s32 $0xE00, s3  }
0x1cb: {  	[tilespmem:s26], [sflag:$0x1] =	stream.indirect.gather [hbm4b:s0+s8], $0x10, s28, s8, $0xb8;
	[tilespmem:$0x1AD00] =	vst v63  }
0x1cc: {  	s29 =	rddreg [dreg:$0x9];
	s30 =	sadd.s32 $0xF00, s3  }
0x1cd: {  	[tilespmem:s29], [sflag:$0x1] =	stream.indirect.gather [hbm4b:s0+s8], $0x10, s30, s8, $0xb8;
	[tilespmem:$0x1AD00] =	vst v63  }
0x1ce: {  	s31 =	rddreg [dreg:$0xa];
	s6 =	sadd.s32 $0x1000, s3  }
0x1cf: {  	[tilespmem:s31], [sflag:$0x1] =	stream.indirect.gather [hbm4b:s0+s8], $0x10, s6, s8, $0xb8;
	[tilespmem:$0x1AD00] =	vst v63  }
0x1d0: {  	s7 =	rddreg [dreg:$0xb];
	s15 =	sadd.s32 $0x1100, s3  }
0x1d1: {  	[tilespmem:s7], [sflag:$0x1] =	stream.indirect.gather [hbm4b:s0+s8], $0x10, s15, s8, $0xb8;
	[tilespmem:$0x1AD00] =	vst v63  }
0x1d2: {  	s16 =	rddreg [dreg:$0xc];
	s17 =	sadd.s32 $0x1200, s3  }
0x1d3: {  	[tilespmem:s16], [sflag:$0x1] =	stream.indirect.gather [hbm4b:s0+s8], $0x10, s17, s8, $0xb8;
	[tilespmem:$0x1AD00] =	vst v63  }
0x1d4: {  	s18 =	rddreg [dreg:$0xd];
	s19 =	sadd.s32 $0x1300, s3  }
0x1d5: {  	[tilespmem:s18], [sflag:$0x1] =	stream.indirect.gather [hbm4b:s0+s8], $0x10, s19, s8, $0xb8;
	[tilespmem:$0x1AD00] =	vst v63  }
0x1d6: {  	s20 =	rddreg [dreg:$0xe];
	s21 =	sadd.s32 $0x1400, s3  }
0x1d7: {  	[tilespmem:s20], [sflag:$0x1] =	stream.indirect.gather [hbm4b:s0+s8], $0x10, s21, s8, $0xb8;
	[tilespmem:$0x1AD00] =	vst v63  }
0x1d8: {  	_ =	swait.ge [sflag:s10], $0x1000  }
0x1d9: {  	[sflag:s10] =	ssyncset.done $0x0  }
0x1da: {  	[sflag:s10] =	ssyncadd.s32 $0xFFFFF000  }
0x1db: {  	_ =	swait.ge [sflag:s10], $0x1000  }
0x1dc: {  	[sflag:s10] =	ssyncset.done $0x0  }
0x1dd: {  	[sflag:s10] =	ssyncadd.s32 $0xFFFFF000  }
0x1de: {  	_ =	swait.ge [sflag:s10], $0x1000  }
0x1df: {  	[sflag:s10] =	ssyncset.done $0x0  }
0x1e0: {  	[sflag:s10] =	ssyncadd.s32 $0xFFFFF000  }
0x1e1: {  	_ =	swait.ge [sflag:s10], $0x1000  }
0x1e2: {  	[sflag:s10] =	ssyncset.done $0x0  }
0x1e3: {  	[sflag:s10] =	ssyncadd.s32 $0xFFFFF000  }
0x1e4: {  	_ =	swait.ge [sflag:s10], $0x1000  }
0x1e5: {  	[sflag:s10] =	ssyncset.done $0x0  }
0x1e6: {  	[sflag:s10] =	ssyncadd.s32 $0xFFFFF000  }
0x1e7: {  	_ =	swait.ge [sflag:s10], $0x1000  }
0x1e8: {  	[sflag:s10] =	ssyncset.done $0x0  }
0x1e9: {  	[sflag:s10] =	ssyncadd.s32 $0xFFFFF000  }
0x1ea: {  	_ =	swait.ge [sflag:s10], $0x1000  }
0x1eb: {  	[sflag:s10] =	ssyncset.done $0x0  }
0x1ec: {  	[sflag:s10] =	ssyncadd.s32 $0xFFFFF000  }
0x1ed: {  	_ =	swait.ge [sflag:s10], $0x1000  }
0x1ee: {  	[sflag:s10] =	ssyncset.done $0x0  }
0x1ef: {  	[sflag:s10] =	ssyncadd.s32 $0xFFFFF000  }
0x1f0: {  	_ =	swait.ge [sflag:s10], $0x1000  }
0x1f1: {  	[sflag:s10] =	ssyncset.done $0x0  }
0x1f2: {  	[sflag:s10] =	ssyncadd.s32 $0xFFFFF000  }
0x1f3: {  	_ =	swait.ge [sflag:s10], $0x1000  }
0x1f4: {  	s15 =	sadd.s32 $0xC00, s1;
	[sflag:s10] =	ssyncset.done $0x0  }
0x1f5: {  	s22 =	sshra.s32 s15, $0x1F;
	s23 =	smulhi.u32 $0x38E38E39, s15;
	[sflag:s10] =	ssyncadd.s32 $0xFFFFF000  }
0x1f6: {  	s0 =	smul.u32 $0x38E38E39, s22;
	_ =	swait.ge [sflag:s10], $0x1000  }
0x1f7: {  	s1 =	sshll.u32 s1, $0x1;
	[sflag:s10] =	ssyncset.done $0x0  }
0x1f8: {  	s1 =	sand.u32 $0x1FFFFFFE, s1;
	s0 =	sadd.s32 s0, s23;
	[sflag:s10] =	ssyncadd.s32 $0xFFFFF000  }
0x1f9: {  	s2 =	sshrl.u32 s0, $0x1F;
	s0 =	sshra.s32 s0, $0xB;
	_ =	swait.ge [sflag:s10], $0x1000  }
0x1fa: {  	s1 =	sadd.s32 s12, s1;
	s0 =	sadd.s32 s2, s0;
	[sflag:s10] =	ssyncset.done $0x0  }
0x1fb: {  	s2 =	simm.s32 @!p0 $0x3;
	s0 =	smul.u32 $0x2400, s0;
	[sflag:s10] =	ssyncadd.s32 $0xFFFFF000  }
0x1fc: {  	[hbm4b:s1+s11] =	stream.linear.scatter [tilespmem:s13], [sflag:$0x2], $0xC000, $0x38;
	[tilespmem:$0x1AD00] =	vst v63  }
0x1fd: {  	s24 =	sshll.u32 s0, $0x1;
	_ =	swait.ge @!p0 [sflag:s2], $0xC000  }
0x1fe: {  	s0 =	ssub.s32 s15, s0;
	s1 =	sand.u32 $0x1FFFFFFE, s24;
	[sflag:s2] =	ssyncset.done @!p0 $0x0  }
0x1ff: {  	s25 =	sadd.s32 $0x900, s0;
	s1 =	sadd.s32 s9, s1;
	[sflag:s2] =	ssyncadd.s32 @!p0 $0xFFFF4000  }
0x200: {  	[tilespmem:s14], [sflag:$0x1] =	stream.indirect.gather [hbm4b:s1+s8], $0x10, s25, s8, $0xb8;
	[tilespmem:$0x1AD00] =	vst v63  }
0x201: {  	s28 =	sadd.s32 $0xA00, s0;
	s26 =	rddreg [dreg:$0xf]  }
0x202: {  	[tilespmem:s26], [sflag:$0x1] =	stream.indirect.gather [hbm4b:s1+s8], $0x10, s28, s8, $0xb8;
	[tilespmem:$0x1AD00] =	vst v63  }
0x203: {  	s30 =	sadd.s32 $0xB00, s0;
	s29 =	rddreg [dreg:$0x10]  }
0x204: {  	[tilespmem:s29], [sflag:$0x1] =	stream.indirect.gather [hbm4b:s1+s8], $0x10, s30, s8, $0xb8;
	[tilespmem:$0x1AD00] =	vst v63  }
0x205: {  	s4 =	sadd.s32 $0xC00, s0;
	s31 =	rddreg [dreg:$0x11]  }
0x206: {  	[tilespmem:s31], [sflag:$0x1] =	stream.indirect.gather [hbm4b:s1+s8], $0x10, s4, s8, $0xb8;
	[tilespmem:$0x1AD00] =	vst v63  }
0x207: {  	s6 =	sadd.s32 $0xD00, s0;
	s5 =	rddreg [dreg:$0x12]  }
0x208: {  	[tilespmem:s5], [sflag:$0x1] =	stream.indirect.gather [hbm4b:s1+s8], $0x10, s6, s8, $0xb8;
	[tilespmem:$0x1AD00] =	vst v63  }
0x209: {  	s9 =	sadd.s32 $0xE00, s0;
	s7 =	rddreg [dreg:$0x13]  }
0x20a: {  	[tilespmem:s7], [sflag:$0x1] =	stream.indirect.gather [hbm4b:s1+s8], $0x10, s9, s8, $0xb8;
	[tilespmem:$0x1AD00] =	vst v63  }
0x20b: {  	s16 =	sadd.s32 $0xF00, s0;
	s13 =	rddreg [dreg:$0x14]  }
0x20c: {  	[tilespmem:s13], [sflag:$0x1] =	stream.indirect.gather [hbm4b:s1+s8], $0x10, s16, s8, $0xb8;
	[tilespmem:$0x1AD00] =	vst v63  }
0x20d: {  	s18 =	sadd.s32 $0x1000, s0;
	s17 =	rddreg [dreg:$0x15]  }
0x20e: {  	[tilespmem:s17], [sflag:$0x1] =	stream.indirect.gather [hbm4b:s1+s8], $0x10, s18, s8, $0xb8;
	[tilespmem:$0x1AD00] =	vst v63  }
0x20f: {  	s20 =	sadd.s32 $0x1100, s0;
	s19 =	rddreg [dreg:$0x16]  }
0x210: {  	[tilespmem:s19], [sflag:$0x1] =	stream.indirect.gather [hbm4b:s1+s8], $0x10, s20, s8, $0xb8;
	[tilespmem:$0x1AD00] =	vst v63  }
0x211: {  	s22 =	sadd.s32 $0x1200, s0;
	s21 =	rddreg [dreg:$0x17]  }
0x212: {  	[tilespmem:s21], [sflag:$0x1] =	stream.indirect.gather [hbm4b:s1+s8], $0x10, s22, s8, $0xb8;
	[tilespmem:$0x1AD00] =	vst v63  }
0x213: {  	s24 =	sadd.s32 $0x1300, s0;
	s23 =	rddreg [dreg:$0x18]  }
0x214: {  	[tilespmem:s23], [sflag:$0x1] =	stream.indirect.gather [hbm4b:s1+s8], $0x10, s24, s8, $0xb8;
	[tilespmem:$0x1AD00] =	vst v63  }
0x215: {  	s0 =	sadd.s32 $0x1400, s0;
	s25 =	rddreg [dreg:$0x19]  }
0x216: {  	[tilespmem:s25], [sflag:$0x1] =	stream.indirect.gather [hbm4b:s1+s8], $0x10, s0, s8, $0xb8;
	[tilespmem:$0x1AD00] =	vst v63  }
0x217: {  	_ =	swait.ge [sflag:s10], $0x1000  }
0x218: {  	[sflag:s10] =	ssyncset.done $0x0  }
0x219: {  	[sflag:s10] =	ssyncadd.s32 $0xFFFFF000  }
0x21a: {  	_ =	swait.ge [sflag:s10], $0x1000  }
0x21b: {  	[sflag:s10] =	ssyncset.done $0x0  }
0x21c: {  	[sflag:s10] =	ssyncadd.s32 $0xFFFFF000  }
0x21d: {  	_ =	swait.ge [sflag:s10], $0x1000  }
0x21e: {  	[sflag:s10] =	ssyncset.done $0x0  }
0x21f: {  	[sflag:s10] =	ssyncadd.s32 $0xFFFFF000  }
0x220: {  	_ =	swait.ge [sflag:s10], $0x1000  }
0x221: {  	[sflag:s10] =	ssyncset.done $0x0  }
0x222: {  	[sflag:s10] =	ssyncadd.s32 $0xFFFFF000  }
0x223: {  	_ =	swait.ge [sflag:s10], $0x1000  }
0x224: {  	[sflag:s10] =	ssyncset.done $0x0  }
0x225: {  	[sflag:s10] =	ssyncadd.s32 $0xFFFFF000  }
0x226: {  	_ =	swait.ge [sflag:s10], $0x1000  }
0x227: {  	[sflag:s10] =	ssyncset.done $0x0  }
0x228: {  	[sflag:s10] =	ssyncadd.s32 $0xFFFFF000  }
0x229: {  	_ =	swait.ge [sflag:s10], $0x1000  }
0x22a: {  	[sflag:s10] =	ssyncset.done $0x0  }
0x22b: {  	[sflag:s10] =	ssyncadd.s32 $0xFFFFF000  }
0x22c: {  	_ =	swait.ge [sflag:s10], $0x1000  }
0x22d: {  	[sflag:s10] =	ssyncset.done $0x0  }
0x22e: {  	[sflag:s10] =	ssyncadd.s32 $0xFFFFF000  }
0x22f: {  	_ =	swait.ge [sflag:s10], $0x1000  }
0x230: {  	[sflag:s10] =	ssyncset.done $0x0  }
0x231: {  	[sflag:s10] =	ssyncadd.s32 $0xFFFFF000  }
0x232: {  	_ =	swait.ge [sflag:s10], $0x1000  }
0x233: {  	[sflag:s10] =	ssyncset.done $0x0  }
0x234: {  	[sflag:s10] =	ssyncadd.s32 $0xFFFFF000  }
0x235: {  	_ =	swait.ge [sflag:s10], $0x1000  }
0x236: {  	[sflag:s10] =	ssyncset.done $0x0  }
0x237: {  	[sflag:s10] =	ssyncadd.s32 $0xFFFFF000  }
0x238: {  	s26 =	sshll.u32 s15, $0x1;
	_ =	swait.ge [sflag:s10], $0x1000  }
0x239: {  	s0 =	sand.u32 $0x1FFFFFFE, s26;
	[sflag:s10] =	ssyncset.done $0x0  }
0x23a: {  	s28 =	simm.s32 $0x2;
	s0 =	sadd.s32 s12, s0;
	[sflag:s10] =	ssyncadd.s32 $0xFFFFF000  }
0x23b: {  	[hbm4b:s0+s11] =	stream.linear.scatter [tilespmem:s14], [sflag:$0x3], $0xC000, $0x38;
	[tilespmem:$0x1AD00] =	vst v63  }
0x23c: {  	_ =	swait.ge [sflag:s28], $0xC000  }
0x23d: {  	[sflag:s28] =	ssyncset.done $0x0  }
0x23e: {  	s29 =	simm.s32 $0x3;
	[sflag:s28] =	ssyncadd.s32 $0xFFFF4000  }
0x23f: {  	_ =	swait.ge [sflag:s29], $0xC000  }
0x240: {  	s30 =	rddreg [dreg:$0x1e]  }
0x241: {  	s31 =	rddreg [dreg:$0x1d];
	s2 =	sadd.s32 $0x1, s30  }
0x242: {  	p0 =	sne.s32 s2, s31  }
.Ltmp2:
0x243: {  	_ = 	snop;
	(pc) =	sbr.rel @p0 .LBB2_1-.Ltmp2, $3  }
0x244: {  	_ =	sdelay $0x1  }
0x245: {  	[sflag:s29] =	ssyncset.done $0x0  }
0x246: {  	[sflag:s29] =	ssyncadd.s32 $0xFFFF4000  }
0x247: {  	_ =	sfence.sel $0x180000  }
0x248: {  	[bflag:$0x0] =	sbarrier.arrive $0xFFFF  }
0x249: {  	_ =	strace $0x90000047  }
0x24a: {  	s0 =	stileid.u32;
	[bflag:$0x2] =	sbarrier.arrive $0xFFFF  }
0x24b: {  	p0 =	sne.s32 s0, $0x0;
	s0 =	rddreg [dreg:$0x2]  }
0x24c: {  	s0 =	sadd.s32 @!p0 $0x100000, s0  }
0x24d: {  	[sflag:s0] =	ssyncadd.tile.s32 @!p0 $0x1;
	_ =	shalt  }
.Lfunc_end2:
_tile_overlayer_lowered:
.L_overlay_start_2:
0x24e: {  	(tag) =	ssettag $0x2  }
0x24f: {  	s0 =	rddreg [dreg:$0x0];
	s2 =	stileid.u32  }
0x250: {  	s1 =	rddreg [dreg:$0x1];
	p0 =	sne.s32 s2, $0x0  }
0x251: {  	s3 =	rddreg [dreg:$0x2];
	[bflag:$0x3] =	sbarrier.arrive $0xFFFF;
	s2 =	simm.s32 @!p0 $0x1C04  }
0x252: {  	[timem:s3], [sflag:s2] =	dma.local @!p0 [hbm:s0], s1  }
0x253: {  	s0 =	simm.s32 @!p0 $0x4  }
0x254: {  	_ =	swait.ge @!p0 [sflag:s0], s1  }
0x255: {  	s1 =	ssub.s32 @!p0 $0x0, s1;
	[sflag:s0] =	ssyncset.done @!p0 $0x0  }
0x256: {  	[sflag:s0] =	ssyncadd.s32 @!p0 s1  }
0x257: {  	[bflag:$0x3] =	sbarrier.arrive $0xFFFF  }
0x258: {  	_ =	shalt  }

</sc_bundles>
